<compile_context>
chip_gen: v7x
topology: tpu7x:2x2x1
jax: 0.10.2.dev20260603
libtpu: 0.0.44.dev20260713+nightly
codegen_flags: <defaults>
</compile_context>

<pallas_src>
import functools

import jax
import jax.numpy as jnp
from jax import lax
from jax.experimental import pallas as pl
from jax.experimental.pallas import tpu as pltpu
from jax.experimental.pallas import tpu_sc as plsc

S = 8192
D = 128
LOW = 1024
CH = 1024
HP = 4
H = 32


def _rank_body(q_ref, k_hbm, slots_ref, kbuf, sem):
    i = pl.program_id(0)
    nsteps = H // HP
    slot = lax.rem(i, 2)
    nslot = lax.rem(i + 1, 2)

    @pl.when(i == 0)
    def _():
        h0 = i * HP
        pltpu.make_async_copy(
            k_hbm.at[h0 // 16, pl.ds(h0 % 16, HP)], kbuf.at[slot],
            sem.at[slot]).start()

    @pl.when(i + 1 < nsteps)
    def _():
        nh0 = (i + 1) * HP
        pltpu.make_async_copy(
            k_hbm.at[nh0 // 16, pl.ds(nh0 % 16, HP)], kbuf.at[nslot],
            sem.at[nslot]).start()

    h0 = i * HP
    pltpu.make_async_copy(
        k_hbm.at[h0 // 16, pl.ds(h0 % 16, HP)], kbuf.at[slot],
        sem.at[slot]).wait()

    for hh in range(HP):
        _rank_one_head(q_ref[0, hh, 0:1, :], kbuf[slot, hh], slots_ref, hh)


def _rank_one_head(q2, kmat, slots_ref, hh):
    srow = lax.dot_general(q2, kmat, (((1,), (1,)), ((), ())),
                           preferred_element_type=jnp.float32)
    svec = srow.reshape(S)
    a = jnp.concatenate(
        [lax.slice(svec, (1,), (S,)), jnp.full((1,), jnp.inf, jnp.float32)])
    low = lax.slice(a, (0,), (LOW,))
    low_col = low[:, None]
    tri = (lax.broadcasted_iota(jnp.int32, (LOW, CH), 1)
           < lax.broadcasted_iota(jnp.int32, (LOW, CH), 0))
    acc = jnp.zeros((LOW, CH), jnp.int32)
    for c in range(S // CH):
        chunk = lax.slice(a, (c * CH,), ((c + 1) * CH,))[None, :]
        acc = acc + (chunk < low_col).astype(jnp.int32)
        if c == 0:
            acc = acc + ((chunk == low_col) & tri).astype(jnp.int32)
    slots = jnp.sum(acc, axis=1) + 1
    slots_ref[0, hh] = slots.reshape(8, 128)


def _rank_call(q, k):
    return pl.pallas_call(
        _rank_body,
        grid=(H // HP,),
        in_specs=[
            pl.BlockSpec((1, HP, 8, D),
                         lambda i: (i // (16 // HP), i % (16 // HP), 0, 0)),
            pl.BlockSpec(memory_space=pl.ANY),
        ],
        out_specs=pl.BlockSpec((1, HP, 8, 128),
                               lambda i: (i // (16 // HP), i % (16 // HP), 0, 0)),
        out_shape=jax.ShapeDtypeStruct((2, 16, 8, 128), jnp.int32),
        scratch_shapes=[
            pltpu.VMEM((2, HP, S, D), jnp.float32),
            pltpu.SemaphoreType.DMA((2,)),
        ],
        compiler_params=pltpu.CompilerParams(
            dimension_semantics=("arbitrary",),
            vmem_limit_bytes=100 * 1024 * 1024,
        ),
    )(q, k)


def _scatter_body(slots_hbm, out_hbm, slots_v, buf_v):
    wid = lax.axis_index("s") * 2 + lax.axis_index("c")
    pltpu.sync_copy(slots_hbm.at[wid], slots_v)
    zero = jnp.zeros((16,), jnp.int32)
    one = jnp.ones((16,), jnp.int32)

    def zbody(i, carry):
        buf_v[pl.ds(pl.multiple_of(i * 16, 16), 16)] = zero
        return carry

    lax.fori_loop(0, S // 16, zbody, 0)

    def sbody(t, carry):
        idx = slots_v[pl.ds(pl.multiple_of(t * 16, 16), 16)]
        plsc.store_scatter(buf_v, [idx], one)
        return carry

    lax.fori_loop(0, LOW // 16, sbody, 0)
    head = buf_v[pl.ds(0, 16)]
    buf_v[pl.ds(0, 16)] = jnp.where(lax.iota(jnp.int32, 16) == 0, 1, head)
    pltpu.sync_copy(buf_v, out_hbm.at[wid])


@functools.cache
def _scatter_call():
    return pl.kernel(
        _scatter_body,
        mesh=plsc.VectorSubcoreMesh(core_axis_name="c", subcore_axis_name="s"),
        out_type=jax.ShapeDtypeStruct((H, S), jnp.int32),
        scratch_types=[
            pltpu.VMEM((LOW,), jnp.int32),
            pltpu.VMEM((S,), jnp.int32),
        ],
        compiler_params=pltpu.CompilerParams(needs_layout_passes=False),
    )


def kernel(q, k):
    slots = _rank_call(q, k).reshape(H, LOW)
    out32 = _scatter_call()(slots)
    return (out32 != 0).reshape(2, 16, S)

# --- scband reference (transcript-rebuilt; emitter-appended) ---
"""Pipeline reference for scband-top-sample-90417651515415 (READ-ONLY COPY).

The authoritative reference and input builder live on the scoring server;
editing this copy changes nothing except your own understanding.
"""

import jax, jax.numpy as jnp
import numpy as np

R = 1024

def setup_inputs(seed: int = 0) -> dict:
    key = jax.random.key(seed)
    k1, k2 = jax.random.split(key)
    q = jax.random.normal(k1, (2, 16, 8192, 128), dtype=jnp.float32)
    k = jax.random.normal(k2, (2, 16, 8192, 128), dtype=jnp.float32)
    return {"q": q, "k": k}

def reference(q, k):
    # a = q[..., :1, :] @ k[..., 1:, :]^T  -> [..., 1, S-1] -> [..., S-1]
    a = jnp.matmul(q[..., :1, :], jnp.swapaxes(k[..., 1:, :], -2, -1))[..., 0, :]
    # torch.sort returns (values, indices) ascending; we need the indices
    index = jnp.argsort(a, axis=-1)
    index = jnp.concatenate([jnp.zeros_like(index[..., :1]), index + 1], axis=-1)
    return index <= R

if __name__ == "__main__":
    import jax
    _d = setup_inputs()
    print(jax.jit(kernel)(*tuple(_d.values())))

</pallas_src>

<mosaic_0001>
#map = affine_map<(d0, d1) -> (0, 0)>
module attributes {stable_mosaic.version = 14 : i64} {
  func.func @_scatter_body(%arg0: i32, %arg1: i32, %arg2: memref<32x1024xi32, #tpu.memory_space<hbm>>, %arg3: memref<32x8192xi32, #tpu.memory_space<hbm>>, %arg4: memref<1024xi32, #tpu.memory_space<vmem>>, %arg5: memref<8192xi32, #tpu.memory_space<vmem>>) attributes {dimension_semantics = [#tpu.dimension_semantics<core_parallel>, #tpu.dimension_semantics<subcore_parallel>], iteration_bounds = array<i64: 2, 16>, scalar_prefetch = 0 : i64, scratch_operands = 2 : i64, tpu.core_type = #tpu.core_type<sc_vector_subcore>, window_params = [{transform_indices = #map}, {transform_indices = #map}]} {
    %mul3A = arith.constant 2 : i32
    %mul3A_0 = arith.muli %arg1, %mul3A : i32
    %add3A = arith.addi %mul3A_0, %arg0 : i32
    "tpu.region"() ({
      %run_scoped3A = tpu.sem_alloc : memref<!tpu.dma_semaphore, #tpu.memory_space<semaphore_mem>>
      %dma_start3A = arith.constant 0 : i32
      %dma_start3A_20 = tpu.memref_slice %arg2[%add3A, %dma_start3A] : memref<32x1024xi32, #tpu.memory_space<hbm>> -> memref<1x1024xi32, #tpu.memory_space<hbm>>
      %dma_start3A_21 = tpu.memref_squeeze %dma_start3A_20 : memref<1x1024xi32, #tpu.memory_space<hbm>> -> memref<1024xi32, #tpu.memory_space<hbm>>
      %dma_start3A_22 = arith.constant 0 : i32
      %dma_start3A_23 = tpu.memref_slice %arg2[%add3A, %dma_start3A_22] : memref<32x1024xi32, #tpu.memory_space<hbm>> -> memref<1x1024xi32, #tpu.memory_space<hbm>>
      %dma_start3A_24 = tpu.memref_squeeze %dma_start3A_23 : memref<1x1024xi32, #tpu.memory_space<hbm>> -> memref<1024xi32, #tpu.memory_space<hbm>>
      tpu.enqueue_dma source(%dma_start3A_24 : memref<1024xi32, #tpu.memory_space<hbm>>) target(%arg4 : memref<1024xi32, #tpu.memory_space<vmem>>) target_semaphore(%run_scoped3A : memref<!tpu.dma_semaphore, #tpu.memory_space<semaphore_mem>>)
      %dma_wait3A = arith.constant 0 : i32
      %dma_wait3A_25 = tpu.memref_slice %arg2[%add3A, %dma_wait3A] : memref<32x1024xi32, #tpu.memory_space<hbm>> -> memref<1x1024xi32, #tpu.memory_space<hbm>>
      %dma_wait3A_26 = tpu.memref_squeeze %dma_wait3A_25 : memref<1x1024xi32, #tpu.memory_space<hbm>> -> memref<1024xi32, #tpu.memory_space<hbm>>
      %dma_wait3A_27 = arith.constant 0 : i32
      %dma_wait3A_28 = tpu.memref_slice %arg2[%add3A, %dma_wait3A_27] : memref<32x1024xi32, #tpu.memory_space<hbm>> -> memref<1x1024xi32, #tpu.memory_space<hbm>>
      %dma_wait3A_29 = tpu.memref_squeeze %dma_wait3A_28 : memref<1x1024xi32, #tpu.memory_space<hbm>> -> memref<1024xi32, #tpu.memory_space<hbm>>
      tpu.wait_dma2 semaphore(%run_scoped3A : memref<!tpu.dma_semaphore, #tpu.memory_space<semaphore_mem>>) src(%dma_wait3A_29 : memref<1024xi32, #tpu.memory_space<hbm>>) dst(%arg4 : memref<1024xi32, #tpu.memory_space<vmem>>)
      tpu.yield
    }) : () -> ()
    %broadcast_in_dim3A = arith.constant 0 : i32
    %broadcast_in_dim3A_1 = vector.broadcast %broadcast_in_dim3A : i32 to vector<16xi32>
    %broadcast_in_dim3A_2 = arith.constant 1 : i32
    %broadcast_in_dim3A_3 = vector.broadcast %broadcast_in_dim3A_2 : i32 to vector<16xi32>
    %scan3A = arith.constant 0 : i32
    %scan3A_4 = arith.constant 0 : i32
    %scan3A_5 = arith.constant 512 : i32
    %scan3A_6 = arith.addi %scan3A_4, %scan3A_5 : i32
    %scan3A_7 = arith.constant 1 : i32
    scf.for %scan3A_20 = %scan3A_4 to %scan3A_6 step %scan3A_7  : i32 {
      %mul3A_21 = arith.constant 16 : i32
      %mul3A_22 = arith.muli %scan3A_20, %mul3A_21 : i32
      %multiple_of3A = tpu.assume_multiple %mul3A_22, 16 : i32
      %swap3A_23 = arith.index_cast %multiple_of3A : i32 to index
      %swap3A_24 = tpu.vector_load %arg5[%swap3A_23] {strides = array<i32>} : memref<8192xi32, #tpu.memory_space<vmem>>, vector<16xi32>,
      tpu.vector_store %arg5[%swap3A_23], %broadcast_in_dim3A_1 {strides = array<i32>} : memref<8192xi32, #tpu.memory_space<vmem>>, vector<16xi32>,
    }
    %scan3A_8 = arith.constant 512 : i32
    %scan3A_9 = arith.constant 0 : i32
    %scan3A_10 = arith.constant 0 : i32
    %scan3A_11 = arith.constant 64 : i32
    %scan3A_12 = arith.addi %scan3A_10, %scan3A_11 : i32
    %scan3A_13 = arith.constant 1 : i32
    scf.for %scan3A_20 = %scan3A_10 to %scan3A_12 step %scan3A_13  : i32 {
      %mul3A_21 = arith.constant 16 : i32
      %mul3A_22 = arith.muli %scan3A_20, %mul3A_21 : i32
      %multiple_of3A = tpu.assume_multiple %mul3A_22, 16 : i32
      %get3A_23 = arith.index_cast %multiple_of3A : i32 to index
      %get3A_24 = tpu.vector_load %arg4[%get3A_23] {strides = array<i32>} : memref<1024xi32, #tpu.memory_space<vmem>>, vector<16xi32>,
      tpu.vector_store_idx %arg5[%get3A_24], %broadcast_in_dim3A_3 : memref<8192xi32, #tpu.memory_space<vmem>>[vector<16xi32>], vector<16xi32>,
    }
    %scan3A_14 = arith.constant 64 : i32
    %get3A = arith.constant 0 : index
    %get3A_15 = tpu.vector_load %arg5[%get3A] {strides = array<i32>} : memref<8192xi32, #tpu.memory_space<vmem>>, vector<16xi32>,
    %iota3A = tpu.iota {dimensions = array<i32: 0>} : vector<16xi32>
    %eq3A = arith.constant 0 : i32
    %eq3A_16 = vector.broadcast %eq3A : i32 to vector<16xi32>
    %eq3A_17 = arith.cmpi eq, %iota3A, %eq3A_16 : vector<16xi32>
    %jit3A = arith.constant 1 : i32
    %broadcast_in_dim3A_18 = vector.broadcast %jit3A : i32 to vector<16xi32>
    %select_n3A = arith.select %eq3A_17, %broadcast_in_dim3A_18, %get3A_15 : vector<16xi1>, vector<16xi32>
    %swap3A = arith.constant 0 : index
    %swap3A_19 = tpu.vector_load %arg5[%swap3A] {strides = array<i32>} : memref<8192xi32, #tpu.memory_space<vmem>>, vector<16xi32>,
    tpu.vector_store %arg5[%swap3A], %select_n3A {strides = array<i32>} : memref<8192xi32, #tpu.memory_space<vmem>>, vector<16xi32>,
    "tpu.region"() ({
      %run_scoped3A = tpu.sem_alloc : memref<!tpu.dma_semaphore, #tpu.memory_space<semaphore_mem>>
      %dma_start3A = arith.constant 0 : i32
      %dma_start3A_20 = tpu.memref_slice %arg3[%add3A, %dma_start3A] : memref<32x8192xi32, #tpu.memory_space<hbm>> -> memref<1x8192xi32, #tpu.memory_space<hbm>>
      %dma_start3A_21 = tpu.memref_squeeze %dma_start3A_20 : memref<1x8192xi32, #tpu.memory_space<hbm>> -> memref<8192xi32, #tpu.memory_space<hbm>>
      %dma_start3A_22 = arith.constant 0 : i32
      %dma_start3A_23 = tpu.memref_slice %arg3[%add3A, %dma_start3A_22] : memref<32x8192xi32, #tpu.memory_space<hbm>> -> memref<1x8192xi32, #tpu.memory_space<hbm>>
      %dma_start3A_24 = tpu.memref_squeeze %dma_start3A_23 : memref<1x8192xi32, #tpu.memory_space<hbm>> -> memref<8192xi32, #tpu.memory_space<hbm>>
      tpu.enqueue_dma source(%arg5 : memref<8192xi32, #tpu.memory_space<vmem>>) target(%dma_start3A_24 : memref<8192xi32, #tpu.memory_space<hbm>>) target_semaphore(%run_scoped3A : memref<!tpu.dma_semaphore, #tpu.memory_space<semaphore_mem>>)
      %dma_wait3A = arith.constant 0 : i32
      %dma_wait3A_25 = tpu.memref_slice %arg3[%add3A, %dma_wait3A] : memref<32x8192xi32, #tpu.memory_space<hbm>> -> memref<1x8192xi32, #tpu.memory_space<hbm>>
      %dma_wait3A_26 = tpu.memref_squeeze %dma_wait3A_25 : memref<1x8192xi32, #tpu.memory_space<hbm>> -> memref<8192xi32, #tpu.memory_space<hbm>>
      %dma_wait3A_27 = arith.constant 0 : i32
      %dma_wait3A_28 = tpu.memref_slice %arg3[%add3A, %dma_wait3A_27] : memref<32x8192xi32, #tpu.memory_space<hbm>> -> memref<1x8192xi32, #tpu.memory_space<hbm>>
      %dma_wait3A_29 = tpu.memref_squeeze %dma_wait3A_28 : memref<1x8192xi32, #tpu.memory_space<hbm>> -> memref<8192xi32, #tpu.memory_space<hbm>>
      tpu.wait_dma2 semaphore(%run_scoped3A : memref<!tpu.dma_semaphore, #tpu.memory_space<semaphore_mem>>) src(%arg5 : memref<8192xi32, #tpu.memory_space<vmem>>) dst(%dma_wait3A_29 : memref<8192xi32, #tpu.memory_space<hbm>>)
      tpu.yield
    }) : () -> ()
    return
  }
}

module attributes {stable_mosaic.version = 14 : i64} {
  func.func @_rank_body(%arg0: i32, %arg1: memref<1x4x8x128xf32, #tpu.memory_space<vmem>>, %arg2: memref<2x16x8192x128xf32, #tpu.memory_space<any>>, %arg3: memref<1x4x8x128xi32, #tpu.memory_space<vmem>>, %arg4: memref<2x4x8192x128xf32, #tpu.memory_space<vmem>>, %arg5: memref<2x!tpu.dma_semaphore, #tpu.memory_space<semaphore_mem>>) attributes {dimension_semantics = [#tpu.dimension_semantics<arbitrary>], iteration_bounds = array<i64: 8>, scalar_prefetch = 0 : i64, scratch_operands = 2 : i64, tpu.core_type = #tpu.core_type<tc>, window_params = [{transform_indices = @transform_0, window_bounds = array<i64: 1, 4, 8, 128>}, {}, {transform_indices = @transform_2, window_bounds = array<i64: 1, 4, 8, 128>}]} {
    %rem3A = arith.constant 2 : i32
    %rem3A_0 = arith.remsi %arg0, %rem3A : i32
    %add3A = arith.constant 1 : i32
    %add3A_1 = arith.addi %arg0, %add3A : i32
    %rem3A_2 = arith.constant 2 : i32
    %rem3A_3 = arith.remsi %add3A_1, %rem3A_2 : i32
    %eq3A = arith.constant 0 : i32
    %eq3A_4 = arith.cmpi eq, %arg0, %eq3A : i32
    %convert_element_type3A = arith.extui %eq3A_4 : i1 to i32
    %cond3A = arith.constant 0 : i32
    %cond3A_5 = arith.cmpi ne, %convert_element_type3A, %cond3A : i32
    scf.if %cond3A_5 {
      %mul3A_451 = arith.constant 4 : i32
      %mul3A_452 = arith.muli %arg0, %mul3A_451 : i32
      %jit3A_453 = arith.constant 16 : i32
      %div3A_454 = arith.divsi %mul3A_452, %jit3A_453 : i32
      %sign3A_455 = arith.constant 0 : i32
      %sign3A_456 = arith.cmpi sgt, %mul3A_452, %sign3A_455 : i32
      %sign3A_457 = arith.extui %sign3A_456 : i1 to i32
      %sign3A_458 = arith.constant 0 : i32
      %sign3A_459 = arith.cmpi slt, %mul3A_452, %sign3A_458 : i32
      %sign3A_460 = arith.extui %sign3A_459 : i1 to i32
      %sign3A_461 = arith.subi %sign3A_457, %sign3A_460 : i32
      %sign3A_462 = arith.constant 0 : i32
      %sign3A_463 = arith.cmpi sgt, %jit3A_453, %sign3A_462 : i32
      %sign3A_464 = arith.extui %sign3A_463 : i1 to i32
      %sign3A_465 = arith.constant 0 : i32
      %sign3A_466 = arith.cmpi slt, %jit3A_453, %sign3A_465 : i32
      %sign3A_467 = arith.extui %sign3A_466 : i1 to i32
      %sign3A_468 = arith.subi %sign3A_464, %sign3A_467 : i32
      %ne3A_469 = arith.cmpi ne, %sign3A_461, %sign3A_468 : i32
      %rem3A_470 = arith.remsi %mul3A_452, %jit3A_453 : i32
      %ne3A_471 = arith.constant 0 : i32
      %ne3A_472 = arith.cmpi ne, %rem3A_470, %ne3A_471 : i32
      %and3A_473 = arith.andi %ne3A_469, %ne3A_472 : i1
      %sub3A_474 = arith.constant 1 : i32
      %sub3A_475 = arith.subi %div3A_454, %sub3A_474 : i32
      %select_n3A_476 = arith.select %and3A_473, %sub3A_475, %div3A_454 : i32
      %jit3A_477 = arith.constant 16 : i32
      %eq3A_478 = arith.constant 0 : i32
      %eq3A_479 = arith.cmpi eq, %jit3A_477, %eq3A_478 : i32
      %jit3A_480 = arith.constant 1 : i32
      %select_n3A_481 = arith.select %eq3A_479, %jit3A_480, %jit3A_477 : i32
      %rem3A_482 = arith.remsi %mul3A_452, %select_n3A_481 : i32
      %ne3A_483 = arith.constant 0 : i32
      %ne3A_484 = arith.cmpi ne, %rem3A_482, %ne3A_483 : i32
      %lt3A_485 = arith.constant 0 : i32
      %lt3A_486 = arith.cmpi slt, %rem3A_482, %lt3A_485 : i32
      %lt3A_487 = arith.constant 0 : i32
      %lt3A_488 = arith.cmpi slt, %select_n3A_481, %lt3A_487 : i32
      %ne3A_489 = arith.xori %lt3A_486, %lt3A_488 : i1
      %and3A_490 = arith.andi %ne3A_489, %ne3A_484 : i1
      %add3A_491 = arith.addi %rem3A_482, %select_n3A_481 : i32
      %select_n3A_492 = arith.select %and3A_490, %add3A_491, %rem3A_482 : i32
      %dma_start3A = tpu.memref_slice %arg5[%rem3A_0] : memref<2x!tpu.dma_semaphore, #tpu.memory_space<semaphore_mem>> -> memref<1x!tpu.dma_semaphore, #tpu.memory_space<semaphore_mem>>
      %dma_start3A_493 = tpu.memref_squeeze %dma_start3A : memref<1x!tpu.dma_semaphore, #tpu.memory_space<semaphore_mem>> -> memref<!tpu.dma_semaphore, #tpu.memory_space<semaphore_mem>>
      %dma_start3A_494 = arith.constant 0 : i32
      %dma_start3A_495 = arith.constant 0 : i32
      %dma_start3A_496 = arith.constant 0 : i32
      %dma_start3A_497 = tpu.memref_slice %arg4[%rem3A_0, %dma_start3A_494, %dma_start3A_495, %dma_start3A_496] : memref<2x4x8192x128xf32, #tpu.memory_space<vmem>> -> memref<1x4x8192x128xf32, #tpu.memory_space<vmem>>
      %dma_start3A_498 = tpu.memref_squeeze %dma_start3A_497 : memref<1x4x8192x128xf32, #tpu.memory_space<vmem>> -> memref<4x8192x128xf32, #tpu.memory_space<vmem>>
      %dma_start3A_499 = arith.constant 0 : i32
      %dma_start3A_500 = arith.constant 0 : i32
      %dma_start3A_501 = tpu.memref_slice %arg2[%select_n3A_476, %select_n3A_492, %dma_start3A_499, %dma_start3A_500] : memref<2x16x8192x128xf32, #tpu.memory_space<any>> -> memref<1x4x8192x128xf32, #tpu.memory_space<any>>
      %dma_start3A_502 = tpu.memref_squeeze %dma_start3A_501 : memref<1x4x8192x128xf32, #tpu.memory_space<any>> -> memref<4x8192x128xf32, #tpu.memory_space<any>>
      tpu.enqueue_dma source(%dma_start3A_502 : memref<4x8192x128xf32, #tpu.memory_space<any>>) target(%dma_start3A_498 : memref<4x8192x128xf32, #tpu.memory_space<vmem>>) target_semaphore(%dma_start3A_493 : memref<!tpu.dma_semaphore, #tpu.memory_space<semaphore_mem>>)
    } else {
    }
    %add3A_6 = arith.constant 1 : i32
    %add3A_7 = arith.addi %arg0, %add3A_6 : i32
    %lt3A = arith.constant 8 : i32
    %lt3A_8 = arith.cmpi slt, %add3A_7, %lt3A : i32
    %convert_element_type3A_9 = arith.extui %lt3A_8 : i1 to i32
    %cond3A_10 = arith.constant 0 : i32
    %cond3A_11 = arith.cmpi ne, %convert_element_type3A_9, %cond3A_10 : i32
    scf.if %cond3A_11 {
      %add3A_451 = arith.constant 1 : i32
      %add3A_452 = arith.addi %arg0, %add3A_451 : i32
      %mul3A_453 = arith.constant 4 : i32
      %mul3A_454 = arith.muli %add3A_452, %mul3A_453 : i32
      %jit3A_455 = arith.constant 16 : i32
      %div3A_456 = arith.divsi %mul3A_454, %jit3A_455 : i32
      %sign3A_457 = arith.constant 0 : i32
      %sign3A_458 = arith.cmpi sgt, %mul3A_454, %sign3A_457 : i32
      %sign3A_459 = arith.extui %sign3A_458 : i1 to i32
      %sign3A_460 = arith.constant 0 : i32
      %sign3A_461 = arith.cmpi slt, %mul3A_454, %sign3A_460 : i32
      %sign3A_462 = arith.extui %sign3A_461 : i1 to i32
      %sign3A_463 = arith.subi %sign3A_459, %sign3A_462 : i32
      %sign3A_464 = arith.constant 0 : i32
      %sign3A_465 = arith.cmpi sgt, %jit3A_455, %sign3A_464 : i32
      %sign3A_466 = arith.extui %sign3A_465 : i1 to i32
      %sign3A_467 = arith.constant 0 : i32
      %sign3A_468 = arith.cmpi slt, %jit3A_455, %sign3A_467 : i32
      %sign3A_469 = arith.extui %sign3A_468 : i1 to i32
      %sign3A_470 = arith.subi %sign3A_466, %sign3A_469 : i32
      %ne3A_471 = arith.cmpi ne, %sign3A_463, %sign3A_470 : i32
      %rem3A_472 = arith.remsi %mul3A_454, %jit3A_455 : i32
      %ne3A_473 = arith.constant 0 : i32
      %ne3A_474 = arith.cmpi ne, %rem3A_472, %ne3A_473 : i32
      %and3A_475 = arith.andi %ne3A_471, %ne3A_474 : i1
      %sub3A_476 = arith.constant 1 : i32
      %sub3A_477 = arith.subi %div3A_456, %sub3A_476 : i32
      %select_n3A_478 = arith.select %and3A_475, %sub3A_477, %div3A_456 : i32
      %jit3A_479 = arith.constant 16 : i32
      %eq3A_480 = arith.constant 0 : i32
      %eq3A_481 = arith.cmpi eq, %jit3A_479, %eq3A_480 : i32
      %jit3A_482 = arith.constant 1 : i32
      %select_n3A_483 = arith.select %eq3A_481, %jit3A_482, %jit3A_479 : i32
      %rem3A_484 = arith.remsi %mul3A_454, %select_n3A_483 : i32
      %ne3A_485 = arith.constant 0 : i32
      %ne3A_486 = arith.cmpi ne, %rem3A_484, %ne3A_485 : i32
      %lt3A_487 = arith.constant 0 : i32
      %lt3A_488 = arith.cmpi slt, %rem3A_484, %lt3A_487 : i32
      %lt3A_489 = arith.constant 0 : i32
      %lt3A_490 = arith.cmpi slt, %select_n3A_483, %lt3A_489 : i32
      %ne3A_491 = arith.xori %lt3A_488, %lt3A_490 : i1
      %and3A_492 = arith.andi %ne3A_491, %ne3A_486 : i1
      %add3A_493 = arith.addi %rem3A_484, %select_n3A_483 : i32
      %select_n3A_494 = arith.select %and3A_492, %add3A_493, %rem3A_484 : i32
      %dma_start3A = tpu.memref_slice %arg5[%rem3A_3] : memref<2x!tpu.dma_semaphore, #tpu.memory_space<semaphore_mem>> -> memref<1x!tpu.dma_semaphore, #tpu.memory_space<semaphore_mem>>
      %dma_start3A_495 = tpu.memref_squeeze %dma_start3A : memref<1x!tpu.dma_semaphore, #tpu.memory_space<semaphore_mem>> -> memref<!tpu.dma_semaphore, #tpu.memory_space<semaphore_mem>>
      %dma_start3A_496 = arith.constant 0 : i32
      %dma_start3A_497 = arith.constant 0 : i32
      %dma_start3A_498 = arith.constant 0 : i32
      %dma_start3A_499 = tpu.memref_slice %arg4[%rem3A_3, %dma_start3A_496, %dma_start3A_497, %dma_start3A_498] : memref<2x4x8192x128xf32, #tpu.memory_space<vmem>> -> memref<1x4x8192x128xf32, #tpu.memory_space<vmem>>
      %dma_start3A_500 = tpu.memref_squeeze %dma_start3A_499 : memref<1x4x8192x128xf32, #tpu.memory_space<vmem>> -> memref<4x8192x128xf32, #tpu.memory_space<vmem>>
      %dma_start3A_501 = arith.constant 0 : i32
      %dma_start3A_502 = arith.constant 0 : i32
      %dma_start3A_503 = tpu.memref_slice %arg2[%select_n3A_478, %select_n3A_494, %dma_start3A_501, %dma_start3A_502] : memref<2x16x8192x128xf32, #tpu.memory_space<any>> -> memref<1x4x8192x128xf32, #tpu.memory_space<any>>
      %dma_start3A_504 = tpu.memref_squeeze %dma_start3A_503 : memref<1x4x8192x128xf32, #tpu.memory_space<any>> -> memref<4x8192x128xf32, #tpu.memory_space<any>>
      tpu.enqueue_dma source(%dma_start3A_504 : memref<4x8192x128xf32, #tpu.memory_space<any>>) target(%dma_start3A_500 : memref<4x8192x128xf32, #tpu.memory_space<vmem>>) target_semaphore(%dma_start3A_495 : memref<!tpu.dma_semaphore, #tpu.memory_space<semaphore_mem>>)
    } else {
    }
    %mul3A = arith.constant 4 : i32
    %mul3A_12 = arith.muli %arg0, %mul3A : i32
    %jit3A = arith.constant 16 : i32
    %div3A = arith.divsi %mul3A_12, %jit3A : i32
    %sign3A = arith.constant 0 : i32
    %sign3A_13 = arith.cmpi sgt, %mul3A_12, %sign3A : i32
    %sign3A_14 = arith.extui %sign3A_13 : i1 to i32
    %sign3A_15 = arith.constant 0 : i32
    %sign3A_16 = arith.cmpi slt, %mul3A_12, %sign3A_15 : i32
    %sign3A_17 = arith.extui %sign3A_16 : i1 to i32
    %sign3A_18 = arith.subi %sign3A_14, %sign3A_17 : i32
    %sign3A_19 = arith.constant 0 : i32
    %sign3A_20 = arith.cmpi sgt, %jit3A, %sign3A_19 : i32
    %sign3A_21 = arith.extui %sign3A_20 : i1 to i32
    %sign3A_22 = arith.constant 0 : i32
    %sign3A_23 = arith.cmpi slt, %jit3A, %sign3A_22 : i32
    %sign3A_24 = arith.extui %sign3A_23 : i1 to i32
    %sign3A_25 = arith.subi %sign3A_21, %sign3A_24 : i32
    %ne3A = arith.cmpi ne, %sign3A_18, %sign3A_25 : i32
    %rem3A_26 = arith.remsi %mul3A_12, %jit3A : i32
    %ne3A_27 = arith.constant 0 : i32
    %ne3A_28 = arith.cmpi ne, %rem3A_26, %ne3A_27 : i32
    %and3A = arith.andi %ne3A, %ne3A_28 : i1
    %sub3A = arith.constant 1 : i32
    %sub3A_29 = arith.subi %div3A, %sub3A : i32
    %select_n3A = arith.select %and3A, %sub3A_29, %div3A : i32
    %jit3A_30 = arith.constant 16 : i32
    %eq3A_31 = arith.constant 0 : i32
    %eq3A_32 = arith.cmpi eq, %jit3A_30, %eq3A_31 : i32
    %jit3A_33 = arith.constant 1 : i32
    %select_n3A_34 = arith.select %eq3A_32, %jit3A_33, %jit3A_30 : i32
    %rem3A_35 = arith.remsi %mul3A_12, %select_n3A_34 : i32
    %ne3A_36 = arith.constant 0 : i32
    %ne3A_37 = arith.cmpi ne, %rem3A_35, %ne3A_36 : i32
    %lt3A_38 = arith.constant 0 : i32
    %lt3A_39 = arith.cmpi slt, %rem3A_35, %lt3A_38 : i32
    %lt3A_40 = arith.constant 0 : i32
    %lt3A_41 = arith.cmpi slt, %select_n3A_34, %lt3A_40 : i32
    %ne3A_42 = arith.xori %lt3A_39, %lt3A_41 : i1
    %and3A_43 = arith.andi %ne3A_42, %ne3A_37 : i1
    %add3A_44 = arith.addi %rem3A_35, %select_n3A_34 : i32
    %select_n3A_45 = arith.select %and3A_43, %add3A_44, %rem3A_35 : i32
    %dma_wait3A = tpu.memref_slice %arg5[%rem3A_0] : memref<2x!tpu.dma_semaphore, #tpu.memory_space<semaphore_mem>> -> memref<1x!tpu.dma_semaphore, #tpu.memory_space<semaphore_mem>>
    %dma_wait3A_46 = tpu.memref_squeeze %dma_wait3A : memref<1x!tpu.dma_semaphore, #tpu.memory_space<semaphore_mem>> -> memref<!tpu.dma_semaphore, #tpu.memory_space<semaphore_mem>>
    %dma_wait3A_47 = arith.constant 0 : i32
    %dma_wait3A_48 = arith.constant 0 : i32
    %dma_wait3A_49 = arith.constant 0 : i32
    %dma_wait3A_50 = tpu.memref_slice %arg4[%rem3A_0, %dma_wait3A_47, %dma_wait3A_48, %dma_wait3A_49] : memref<2x4x8192x128xf32, #tpu.memory_space<vmem>> -> memref<1x4x8192x128xf32, #tpu.memory_space<vmem>>
    %dma_wait3A_51 = tpu.memref_squeeze %dma_wait3A_50 : memref<1x4x8192x128xf32, #tpu.memory_space<vmem>> -> memref<4x8192x128xf32, #tpu.memory_space<vmem>>
    %dma_wait3A_52 = arith.constant 0 : i32
    %dma_wait3A_53 = arith.constant 0 : i32
    %dma_wait3A_54 = tpu.memref_slice %arg2[%select_n3A, %select_n3A_45, %dma_wait3A_52, %dma_wait3A_53] : memref<2x16x8192x128xf32, #tpu.memory_space<any>> -> memref<1x4x8192x128xf32, #tpu.memory_space<any>>
    %dma_wait3A_55 = tpu.memref_squeeze %dma_wait3A_54 : memref<1x4x8192x128xf32, #tpu.memory_space<any>> -> memref<4x8192x128xf32, #tpu.memory_space<any>>
    tpu.wait_dma2 semaphore(%dma_wait3A_46 : memref<!tpu.dma_semaphore, #tpu.memory_space<semaphore_mem>>) src(%dma_wait3A_55 : memref<4x8192x128xf32, #tpu.memory_space<any>>) dst(%dma_wait3A_51 : memref<4x8192x128xf32, #tpu.memory_space<vmem>>)
    %get3A = arith.constant 0 : index
    %get3A_56 = arith.constant 0 : index
    %get3A_57 = arith.constant 0 : index
    %get3A_58 = arith.constant 0 : index
    %get3A_59 = vector.load %arg1[%get3A, %get3A_56, %get3A_57, %get3A_58] : memref<1x4x8x128xf32, #tpu.memory_space<vmem>>, vector<1x1x1x128xf32>
    %get3A_60 = vector.shape_cast %get3A_59 : vector<1x1x1x128xf32> to vector<1x128xf32>
    %get3A_61 = arith.index_cast %rem3A_0 : i32 to index
    %get3A_62 = arith.constant 0 : index
    %get3A_63 = arith.constant 0 : index
    %get3A_64 = arith.constant 0 : index
    %get3A_65 = vector.load %arg4[%get3A_61, %get3A_62, %get3A_63, %get3A_64] : memref<2x4x8192x128xf32, #tpu.memory_space<vmem>>, vector<1x1x8192x128xf32>
    %get3A_66 = vector.shape_cast %get3A_65 : vector<1x1x8192x128xf32> to vector<8192x128xf32>
    %dot_general3A = arith.constant dense<0.000000e+00> : vector<1x8192xf32>
    %dot_general3A_67 = tpu.matmul %get3A_60, %get3A_66, %dot_general3A {dimension_numbers = #tpu.dot_dimension_numbers<[1], [1], [0], [0], [0, 0, 1, 0], [], []>, transpose_lhs_hint = false} : vector<1x128xf32>, vector<8192x128xf32>, vector<1x8192xf32> -> vector<1x8192xf32>
    %reshape3A = vector.shape_cast %dot_general3A_67 : vector<1x8192xf32> to vector<8192xf32>
    %slice3A = vector.extract_strided_slice %reshape3A {offsets = [1], sizes = [8191], strides = [1]} : vector<8192xf32> to vector<8191xf32>
    %broadcast_in_dim3A = arith.constant 0x7F800000 : f32
    %broadcast_in_dim3A_68 = vector.broadcast %broadcast_in_dim3A : f32 to vector<1xf32>
    %concatenate3A = tpu.concatenate %slice3A, %broadcast_in_dim3A_68 in 0 : vector<8191xf32>, vector<1xf32> -> vector<8192xf32>
    %slice3A_69 = vector.extract_strided_slice %concatenate3A {offsets = [0], sizes = [1024], strides = [1]} : vector<8192xf32> to vector<1024xf32>
    %broadcast_in_dim3A_70 = vector.shape_cast %slice3A_69 : vector<1024xf32> to vector<1024x1xf32>
    %iota3A = tpu.iota {dimensions = array<i32: 1>} : vector<1024x1024xi32>
    %iota3A_71 = tpu.iota {dimensions = array<i32: 0>} : vector<1024x1024xi32>
    %lt3A_72 = arith.cmpi slt, %iota3A, %iota3A_71 : vector<1024x1024xi32>
    %broadcast_in_dim3A_73 = arith.constant 0 : i32
    %broadcast_in_dim3A_74 = vector.broadcast %broadcast_in_dim3A_73 : i32 to vector<1024x1024xi32>
    %slice3A_75 = vector.extract_strided_slice %concatenate3A {offsets = [0], sizes = [1024], strides = [1]} : vector<8192xf32> to vector<1024xf32>
    %broadcast_in_dim3A_76 = vector.shape_cast %slice3A_75 : vector<1024xf32> to vector<1x1024xf32>
    %lt3A_77 = vector.broadcast %broadcast_in_dim3A_76 : vector<1x1024xf32> to vector<1024x1024xf32>
    %lt3A_78 = vector.broadcast %broadcast_in_dim3A_70 : vector<1024x1xf32> to vector<1024x1024xf32>
    %lt3A_79 = arith.cmpf olt, %lt3A_77, %lt3A_78 : vector<1024x1024xf32>
    %convert_element_type3A_80 = arith.extui %lt3A_79 : vector<1024x1024xi1> to vector<1024x1024xi32>
    %add3A_81 = arith.addi %broadcast_in_dim3A_74, %convert_element_type3A_80 : vector<1024x1024xi32>
    %eq3A_82 = vector.broadcast %broadcast_in_dim3A_76 : vector<1x1024xf32> to vector<1024x1024xf32>
    %eq3A_83 = vector.broadcast %broadcast_in_dim3A_70 : vector<1024x1xf32> to vector<1024x1024xf32>
    %eq3A_84 = arith.cmpf oeq, %eq3A_82, %eq3A_83 : vector<1024x1024xf32>
    %and3A_85 = arith.andi %eq3A_84, %lt3A_72 : vector<1024x1024xi1>
    %convert_element_type3A_86 = arith.extui %and3A_85 : vector<1024x1024xi1> to vector<1024x1024xi32>
    %add3A_87 = arith.addi %add3A_81, %convert_element_type3A_86 : vector<1024x1024xi32>
    %slice3A_88 = vector.extract_strided_slice %concatenate3A {offsets = [1024], sizes = [1024], strides = [1]} : vector<8192xf32> to vector<1024xf32>
    %broadcast_in_dim3A_89 = vector.shape_cast %slice3A_88 : vector<1024xf32> to vector<1x1024xf32>
    %lt3A_90 = vector.broadcast %broadcast_in_dim3A_89 : vector<1x1024xf32> to vector<1024x1024xf32>
    %lt3A_91 = vector.broadcast %broadcast_in_dim3A_70 : vector<1024x1xf32> to vector<1024x1024xf32>
    %lt3A_92 = arith.cmpf olt, %lt3A_90, %lt3A_91 : vector<1024x1024xf32>
    %convert_element_type3A_93 = arith.extui %lt3A_92 : vector<1024x1024xi1> to vector<1024x1024xi32>
    %add3A_94 = arith.addi %add3A_87, %convert_element_type3A_93 : vector<1024x1024xi32>
    %slice3A_95 = vector.extract_strided_slice %concatenate3A {offsets = [2048], sizes = [1024], strides = [1]} : vector<8192xf32> to vector<1024xf32>
    %broadcast_in_dim3A_96 = vector.shape_cast %slice3A_95 : vector<1024xf32> to vector<1x1024xf32>
    %lt3A_97 = vector.broadcast %broadcast_in_dim3A_96 : vector<1x1024xf32> to vector<1024x1024xf32>
    %lt3A_98 = vector.broadcast %broadcast_in_dim3A_70 : vector<1024x1xf32> to vector<1024x1024xf32>
    %lt3A_99 = arith.cmpf olt, %lt3A_97, %lt3A_98 : vector<1024x1024xf32>
    %convert_element_type3A_100 = arith.extui %lt3A_99 : vector<1024x1024xi1> to vector<1024x1024xi32>
    %add3A_101 = arith.addi %add3A_94, %convert_element_type3A_100 : vector<1024x1024xi32>
    %slice3A_102 = vector.extract_strided_slice %concatenate3A {offsets = [3072], sizes = [1024], strides = [1]} : vector<8192xf32> to vector<1024xf32>
    %broadcast_in_dim3A_103 = vector.shape_cast %slice3A_102 : vector<1024xf32> to vector<1x1024xf32>
    %lt3A_104 = vector.broadcast %broadcast_in_dim3A_103 : vector<1x1024xf32> to vector<1024x1024xf32>
    %lt3A_105 = vector.broadcast %broadcast_in_dim3A_70 : vector<1024x1xf32> to vector<1024x1024xf32>
    %lt3A_106 = arith.cmpf olt, %lt3A_104, %lt3A_105 : vector<1024x1024xf32>
    %convert_element_type3A_107 = arith.extui %lt3A_106 : vector<1024x1024xi1> to vector<1024x1024xi32>
    %add3A_108 = arith.addi %add3A_101, %convert_element_type3A_107 : vector<1024x1024xi32>
    %slice3A_109 = vector.extract_strided_slice %concatenate3A {offsets = [4096], sizes = [1024], strides = [1]} : vector<8192xf32> to vector<1024xf32>
    %broadcast_in_dim3A_110 = vector.shape_cast %slice3A_109 : vector<1024xf32> to vector<1x1024xf32>
    %lt3A_111 = vector.broadcast %broadcast_in_dim3A_110 : vector<1x1024xf32> to vector<1024x1024xf32>
    %lt3A_112 = vector.broadcast %broadcast_in_dim3A_70 : vector<1024x1xf32> to vector<1024x1024xf32>
    %lt3A_113 = arith.cmpf olt, %lt3A_111, %lt3A_112 : vector<1024x1024xf32>
    %convert_element_type3A_114 = arith.extui %lt3A_113 : vector<1024x1024xi1> to vector<1024x1024xi32>
    %add3A_115 = arith.addi %add3A_108, %convert_element_type3A_114 : vector<1024x1024xi32>
    %slice3A_116 = vector.extract_strided_slice %concatenate3A {offsets = [5120], sizes = [1024], strides = [1]} : vector<8192xf32> to vector<1024xf32>
    %broadcast_in_dim3A_117 = vector.shape_cast %slice3A_116 : vector<1024xf32> to vector<1x1024xf32>
    %lt3A_118 = vector.broadcast %broadcast_in_dim3A_117 : vector<1x1024xf32> to vector<1024x1024xf32>
    %lt3A_119 = vector.broadcast %broadcast_in_dim3A_70 : vector<1024x1xf32> to vector<1024x1024xf32>
    %lt3A_120 = arith.cmpf olt, %lt3A_118, %lt3A_119 : vector<1024x1024xf32>
    %convert_element_type3A_121 = arith.extui %lt3A_120 : vector<1024x1024xi1> to vector<1024x1024xi32>
    %add3A_122 = arith.addi %add3A_115, %convert_element_type3A_121 : vector<1024x1024xi32>
    %slice3A_123 = vector.extract_strided_slice %concatenate3A {offsets = [6144], sizes = [1024], strides = [1]} : vector<8192xf32> to vector<1024xf32>
    %broadcast_in_dim3A_124 = vector.shape_cast %slice3A_123 : vector<1024xf32> to vector<1x1024xf32>
    %lt3A_125 = vector.broadcast %broadcast_in_dim3A_124 : vector<1x1024xf32> to vector<1024x1024xf32>
    %lt3A_126 = vector.broadcast %broadcast_in_dim3A_70 : vector<1024x1xf32> to vector<1024x1024xf32>
    %lt3A_127 = arith.cmpf olt, %lt3A_125, %lt3A_126 : vector<1024x1024xf32>
    %convert_element_type3A_128 = arith.extui %lt3A_127 : vector<1024x1024xi1> to vector<1024x1024xi32>
    %add3A_129 = arith.addi %add3A_122, %convert_element_type3A_128 : vector<1024x1024xi32>
    %slice3A_130 = vector.extract_strided_slice %concatenate3A {offsets = [7168], sizes = [1024], strides = [1]} : vector<8192xf32> to vector<1024xf32>
    %broadcast_in_dim3A_131 = vector.shape_cast %slice3A_130 : vector<1024xf32> to vector<1x1024xf32>
    %lt3A_132 = vector.broadcast %broadcast_in_dim3A_131 : vector<1x1024xf32> to vector<1024x1024xf32>
    %lt3A_133 = vector.broadcast %broadcast_in_dim3A_70 : vector<1024x1xf32> to vector<1024x1024xf32>
    %lt3A_134 = arith.cmpf olt, %lt3A_132, %lt3A_133 : vector<1024x1024xf32>
    %convert_element_type3A_135 = arith.extui %lt3A_134 : vector<1024x1024xi1> to vector<1024x1024xi32>
    %add3A_136 = arith.addi %add3A_129, %convert_element_type3A_135 : vector<1024x1024xi32>
    %reduce_sum3A = arith.constant dense<0> : vector<1024xi32>
    %reduce_sum3A_137 = vector.multi_reduction <add>, %add3A_136, %reduce_sum3A [1] : vector<1024x1024xi32> to vector<1024xi32>
    %add3A_138 = arith.constant 1 : i32
    %add3A_139 = vector.broadcast %add3A_138 : i32 to vector<1024xi32>
    %add3A_140 = arith.addi %reduce_sum3A_137, %add3A_139 : vector<1024xi32>
    %reshape3A_141 = vector.shape_cast %add3A_140 : vector<1024xi32> to vector<8x128xi32>
    %swap3A = arith.constant 0 : index
    %swap3A_142 = arith.constant 0 : index
    %swap3A_143 = arith.constant 0 : index
    %swap3A_144 = arith.constant 0 : index
    %swap3A_145 = vector.load %arg3[%swap3A, %swap3A_142, %swap3A_143, %swap3A_144] : memref<1x4x8x128xi32, #tpu.memory_space<vmem>>, vector<1x1x8x128xi32>
    %swap3A_146 = vector.shape_cast %swap3A_145 : vector<1x1x8x128xi32> to vector<8x128xi32>
    %swap3A_147 = vector.shape_cast %reshape3A_141 : vector<8x128xi32> to vector<1x1x8x128xi32>
    tpu.vector_store %arg3[%swap3A, %swap3A_142, %swap3A_143, %swap3A_144], %swap3A_147 {strides = array<i32>} : memref<1x4x8x128xi32, #tpu.memory_space<vmem>>, vector<1x1x8x128xi32>,
    %get3A_148 = arith.constant 0 : index
    %get3A_149 = arith.constant 1 : index
    %get3A_150 = arith.constant 0 : index
    %get3A_151 = arith.constant 0 : index
    %get3A_152 = vector.load %arg1[%get3A_148, %get3A_149, %get3A_150, %get3A_151] : memref<1x4x8x128xf32, #tpu.memory_space<vmem>>, vector<1x1x1x128xf32>
    %get3A_153 = vector.shape_cast %get3A_152 : vector<1x1x1x128xf32> to vector<1x128xf32>
    %get3A_154 = arith.index_cast %rem3A_0 : i32 to index
    %get3A_155 = arith.constant 1 : index
    %get3A_156 = arith.constant 0 : index
    %get3A_157 = arith.constant 0 : index
    %get3A_158 = vector.load %arg4[%get3A_154, %get3A_155, %get3A_156, %get3A_157] : memref<2x4x8192x128xf32, #tpu.memory_space<vmem>>, vector<1x1x8192x128xf32>
    %get3A_159 = vector.shape_cast %get3A_158 : vector<1x1x8192x128xf32> to vector<8192x128xf32>
    %dot_general3A_160 = arith.constant dense<0.000000e+00> : vector<1x8192xf32>
    %dot_general3A_161 = tpu.matmul %get3A_153, %get3A_159, %dot_general3A_160 {dimension_numbers = #tpu.dot_dimension_numbers<[1], [1], [0], [0], [0, 0, 1, 0], [], []>, transpose_lhs_hint = false} : vector<1x128xf32>, vector<8192x128xf32>, vector<1x8192xf32> -> vector<1x8192xf32>
    %reshape3A_162 = vector.shape_cast %dot_general3A_161 : vector<1x8192xf32> to vector<8192xf32>
    %slice3A_163 = vector.extract_strided_slice %reshape3A_162 {offsets = [1], sizes = [8191], strides = [1]} : vector<8192xf32> to vector<8191xf32>
    %broadcast_in_dim3A_164 = arith.constant 0x7F800000 : f32
    %broadcast_in_dim3A_165 = vector.broadcast %broadcast_in_dim3A_164 : f32 to vector<1xf32>
    %concatenate3A_166 = tpu.concatenate %slice3A_163, %broadcast_in_dim3A_165 in 0 : vector<8191xf32>, vector<1xf32> -> vector<8192xf32>
    %slice3A_167 = vector.extract_strided_slice %concatenate3A_166 {offsets = [0], sizes = [1024], strides = [1]} : vector<8192xf32> to vector<1024xf32>
    %broadcast_in_dim3A_168 = vector.shape_cast %slice3A_167 : vector<1024xf32> to vector<1024x1xf32>
    %iota3A_169 = tpu.iota {dimensions = array<i32: 1>} : vector<1024x1024xi32>
    %iota3A_170 = tpu.iota {dimensions = array<i32: 0>} : vector<1024x1024xi32>
    %lt3A_171 = arith.cmpi slt, %iota3A_169, %iota3A_170 : vector<1024x1024xi32>
    %broadcast_in_dim3A_172 = arith.constant 0 : i32
    %broadcast_in_dim3A_173 = vector.broadcast %broadcast_in_dim3A_172 : i32 to vector<1024x1024xi32>
    %slice3A_174 = vector.extract_strided_slice %concatenate3A_166 {offsets = [0], sizes = [1024], strides = [1]} : vector<8192xf32> to vector<1024xf32>
    %broadcast_in_dim3A_175 = vector.shape_cast %slice3A_174 : vector<1024xf32> to vector<1x1024xf32>
    %lt3A_176 = vector.broadcast %broadcast_in_dim3A_175 : vector<1x1024xf32> to vector<1024x1024xf32>
    %lt3A_177 = vector.broadcast %broadcast_in_dim3A_168 : vector<1024x1xf32> to vector<1024x1024xf32>
    %lt3A_178 = arith.cmpf olt, %lt3A_176, %lt3A_177 : vector<1024x1024xf32>
    %convert_element_type3A_179 = arith.extui %lt3A_178 : vector<1024x1024xi1> to vector<1024x1024xi32>
    %add3A_180 = arith.addi %broadcast_in_dim3A_173, %convert_element_type3A_179 : vector<1024x1024xi32>
    %eq3A_181 = vector.broadcast %broadcast_in_dim3A_175 : vector<1x1024xf32> to vector<1024x1024xf32>
    %eq3A_182 = vector.broadcast %broadcast_in_dim3A_168 : vector<1024x1xf32> to vector<1024x1024xf32>
    %eq3A_183 = arith.cmpf oeq, %eq3A_181, %eq3A_182 : vector<1024x1024xf32>
    %and3A_184 = arith.andi %eq3A_183, %lt3A_171 : vector<1024x1024xi1>
    %convert_element_type3A_185 = arith.extui %and3A_184 : vector<1024x1024xi1> to vector<1024x1024xi32>
    %add3A_186 = arith.addi %add3A_180, %convert_element_type3A_185 : vector<1024x1024xi32>
    %slice3A_187 = vector.extract_strided_slice %concatenate3A_166 {offsets = [1024], sizes = [1024], strides = [1]} : vector<8192xf32> to vector<1024xf32>
    %broadcast_in_dim3A_188 = vector.shape_cast %slice3A_187 : vector<1024xf32> to vector<1x1024xf32>
    %lt3A_189 = vector.broadcast %broadcast_in_dim3A_188 : vector<1x1024xf32> to vector<1024x1024xf32>
    %lt3A_190 = vector.broadcast %broadcast_in_dim3A_168 : vector<1024x1xf32> to vector<1024x1024xf32>
    %lt3A_191 = arith.cmpf olt, %lt3A_189, %lt3A_190 : vector<1024x1024xf32>
    %convert_element_type3A_192 = arith.extui %lt3A_191 : vector<1024x1024xi1> to vector<1024x1024xi32>
    %add3A_193 = arith.addi %add3A_186, %convert_element_type3A_192 : vector<1024x1024xi32>
    %slice3A_194 = vector.extract_strided_slice %concatenate3A_166 {offsets = [2048], sizes = [1024], strides = [1]} : vector<8192xf32> to vector<1024xf32>
    %broadcast_in_dim3A_195 = vector.shape_cast %slice3A_194 : vector<1024xf32> to vector<1x1024xf32>
    %lt3A_196 = vector.broadcast %broadcast_in_dim3A_195 : vector<1x1024xf32> to vector<1024x1024xf32>
    %lt3A_197 = vector.broadcast %broadcast_in_dim3A_168 : vector<1024x1xf32> to vector<1024x1024xf32>
    %lt3A_198 = arith.cmpf olt, %lt3A_196, %lt3A_197 : vector<1024x1024xf32>
    %convert_element_type3A_199 = arith.extui %lt3A_198 : vector<1024x1024xi1> to vector<1024x1024xi32>
    %add3A_200 = arith.addi %add3A_193, %convert_element_type3A_199 : vector<1024x1024xi32>
    %slice3A_201 = vector.extract_strided_slice %concatenate3A_166 {offsets = [3072], sizes = [1024], strides = [1]} : vector<8192xf32> to vector<1024xf32>
    %broadcast_in_dim3A_202 = vector.shape_cast %slice3A_201 : vector<1024xf32> to vector<1x1024xf32>
    %lt3A_203 = vector.broadcast %broadcast_in_dim3A_202 : vector<1x1024xf32> to vector<1024x1024xf32>
    %lt3A_204 = vector.broadcast %broadcast_in_dim3A_168 : vector<1024x1xf32> to vector<1024x1024xf32>
    %lt3A_205 = arith.cmpf olt, %lt3A_203, %lt3A_204 : vector<1024x1024xf32>
    %convert_element_type3A_206 = arith.extui %lt3A_205 : vector<1024x1024xi1> to vector<1024x1024xi32>
    %add3A_207 = arith.addi %add3A_200, %convert_element_type3A_206 : vector<1024x1024xi32>
    %slice3A_208 = vector.extract_strided_slice %concatenate3A_166 {offsets = [4096], sizes = [1024], strides = [1]} : vector<8192xf32> to vector<1024xf32>
    %broadcast_in_dim3A_209 = vector.shape_cast %slice3A_208 : vector<1024xf32> to vector<1x1024xf32>
    %lt3A_210 = vector.broadcast %broadcast_in_dim3A_209 : vector<1x1024xf32> to vector<1024x1024xf32>
    %lt3A_211 = vector.broadcast %broadcast_in_dim3A_168 : vector<1024x1xf32> to vector<1024x1024xf32>
    %lt3A_212 = arith.cmpf olt, %lt3A_210, %lt3A_211 : vector<1024x1024xf32>
    %convert_element_type3A_213 = arith.extui %lt3A_212 : vector<1024x1024xi1> to vector<1024x1024xi32>
    %add3A_214 = arith.addi %add3A_207, %convert_element_type3A_213 : vector<1024x1024xi32>
    %slice3A_215 = vector.extract_strided_slice %concatenate3A_166 {offsets = [5120], sizes = [1024], strides = [1]} : vector<8192xf32> to vector<1024xf32>
    %broadcast_in_dim3A_216 = vector.shape_cast %slice3A_215 : vector<1024xf32> to vector<1x1024xf32>
    %lt3A_217 = vector.broadcast %broadcast_in_dim3A_216 : vector<1x1024xf32> to vector<1024x1024xf32>
    %lt3A_218 = vector.broadcast %broadcast_in_dim3A_168 : vector<1024x1xf32> to vector<1024x1024xf32>
    %lt3A_219 = arith.cmpf olt, %lt3A_217, %lt3A_218 : vector<1024x1024xf32>
    %convert_element_type3A_220 = arith.extui %lt3A_219 : vector<1024x1024xi1> to vector<1024x1024xi32>
    %add3A_221 = arith.addi %add3A_214, %convert_element_type3A_220 : vector<1024x1024xi32>
    %slice3A_222 = vector.extract_strided_slice %concatenate3A_166 {offsets = [6144], sizes = [1024], strides = [1]} : vector<8192xf32> to vector<1024xf32>
    %broadcast_in_dim3A_223 = vector.shape_cast %slice3A_222 : vector<1024xf32> to vector<1x1024xf32>
    %lt3A_224 = vector.broadcast %broadcast_in_dim3A_223 : vector<1x1024xf32> to vector<1024x1024xf32>
    %lt3A_225 = vector.broadcast %broadcast_in_dim3A_168 : vector<1024x1xf32> to vector<1024x1024xf32>
    %lt3A_226 = arith.cmpf olt, %lt3A_224, %lt3A_225 : vector<1024x1024xf32>
    %convert_element_type3A_227 = arith.extui %lt3A_226 : vector<1024x1024xi1> to vector<1024x1024xi32>
    %add3A_228 = arith.addi %add3A_221, %convert_element_type3A_227 : vector<1024x1024xi32>
    %slice3A_229 = vector.extract_strided_slice %concatenate3A_166 {offsets = [7168], sizes = [1024], strides = [1]} : vector<8192xf32> to vector<1024xf32>
    %broadcast_in_dim3A_230 = vector.shape_cast %slice3A_229 : vector<1024xf32> to vector<1x1024xf32>
    %lt3A_231 = vector.broadcast %broadcast_in_dim3A_230 : vector<1x1024xf32> to vector<1024x1024xf32>
    %lt3A_232 = vector.broadcast %broadcast_in_dim3A_168 : vector<1024x1xf32> to vector<1024x1024xf32>
    %lt3A_233 = arith.cmpf olt, %lt3A_231, %lt3A_232 : vector<1024x1024xf32>
    %convert_element_type3A_234 = arith.extui %lt3A_233 : vector<1024x1024xi1> to vector<1024x1024xi32>
    %add3A_235 = arith.addi %add3A_228, %convert_element_type3A_234 : vector<1024x1024xi32>
    %reduce_sum3A_236 = arith.constant dense<0> : vector<1024xi32>
    %reduce_sum3A_237 = vector.multi_reduction <add>, %add3A_235, %reduce_sum3A_236 [1] : vector<1024x1024xi32> to vector<1024xi32>
    %add3A_238 = arith.constant 1 : i32
    %add3A_239 = vector.broadcast %add3A_238 : i32 to vector<1024xi32>
    %add3A_240 = arith.addi %reduce_sum3A_237, %add3A_239 : vector<1024xi32>
    %reshape3A_241 = vector.shape_cast %add3A_240 : vector<1024xi32> to vector<8x128xi32>
    %swap3A_242 = arith.constant 0 : index
    %swap3A_243 = arith.constant 1 : index
    %swap3A_244 = arith.constant 0 : index
    %swap3A_245 = arith.constant 0 : index
    %swap3A_246 = vector.load %arg3[%swap3A_242, %swap3A_243, %swap3A_244, %swap3A_245] : memref<1x4x8x128xi32, #tpu.memory_space<vmem>>, vector<1x1x8x128xi32>
    %swap3A_247 = vector.shape_cast %swap3A_246 : vector<1x1x8x128xi32> to vector<8x128xi32>
    %swap3A_248 = vector.shape_cast %reshape3A_241 : vector<8x128xi32> to vector<1x1x8x128xi32>
    tpu.vector_store %arg3[%swap3A_242, %swap3A_243, %swap3A_244, %swap3A_245], %swap3A_248 {strides = array<i32>} : memref<1x4x8x128xi32, #tpu.memory_space<vmem>>, vector<1x1x8x128xi32>,
    %get3A_249 = arith.constant 0 : index
    %get3A_250 = arith.constant 2 : index
    %get3A_251 = arith.constant 0 : index
    %get3A_252 = arith.constant 0 : index
    %get3A_253 = vector.load %arg1[%get3A_249, %get3A_250, %get3A_251, %get3A_252] : memref<1x4x8x128xf32, #tpu.memory_space<vmem>>, vector<1x1x1x128xf32>
    %get3A_254 = vector.shape_cast %get3A_253 : vector<1x1x1x128xf32> to vector<1x128xf32>
    %get3A_255 = arith.index_cast %rem3A_0 : i32 to index
    %get3A_256 = arith.constant 2 : index
    %get3A_257 = arith.constant 0 : index
    %get3A_258 = arith.constant 0 : index
    %get3A_259 = vector.load %arg4[%get3A_255, %get3A_256, %get3A_257, %get3A_258] : memref<2x4x8192x128xf32, #tpu.memory_space<vmem>>, vector<1x1x8192x128xf32>
    %get3A_260 = vector.shape_cast %get3A_259 : vector<1x1x8192x128xf32> to vector<8192x128xf32>
    %dot_general3A_261 = arith.constant dense<0.000000e+00> : vector<1x8192xf32>
    %dot_general3A_262 = tpu.matmul %get3A_254, %get3A_260, %dot_general3A_261 {dimension_numbers = #tpu.dot_dimension_numbers<[1], [1], [0], [0], [0, 0, 1, 0], [], []>, transpose_lhs_hint = false} : vector<1x128xf32>, vector<8192x128xf32>, vector<1x8192xf32> -> vector<1x8192xf32>
    %reshape3A_263 = vector.shape_cast %dot_general3A_262 : vector<1x8192xf32> to vector<8192xf32>
    %slice3A_264 = vector.extract_strided_slice %reshape3A_263 {offsets = [1], sizes = [8191], strides = [1]} : vector<8192xf32> to vector<8191xf32>
    %broadcast_in_dim3A_265 = arith.constant 0x7F800000 : f32
    %broadcast_in_dim3A_266 = vector.broadcast %broadcast_in_dim3A_265 : f32 to vector<1xf32>
    %concatenate3A_267 = tpu.concatenate %slice3A_264, %broadcast_in_dim3A_266 in 0 : vector<8191xf32>, vector<1xf32> -> vector<8192xf32>
    %slice3A_268 = vector.extract_strided_slice %concatenate3A_267 {offsets = [0], sizes = [1024], strides = [1]} : vector<8192xf32> to vector<1024xf32>
    %broadcast_in_dim3A_269 = vector.shape_cast %slice3A_268 : vector<1024xf32> to vector<1024x1xf32>
    %iota3A_270 = tpu.iota {dimensions = array<i32: 1>} : vector<1024x1024xi32>
    %iota3A_271 = tpu.iota {dimensions = array<i32: 0>} : vector<1024x1024xi32>
    %lt3A_272 = arith.cmpi slt, %iota3A_270, %iota3A_271 : vector<1024x1024xi32>
    %broadcast_in_dim3A_273 = arith.constant 0 : i32
    %broadcast_in_dim3A_274 = vector.broadcast %broadcast_in_dim3A_273 : i32 to vector<1024x1024xi32>
    %slice3A_275 = vector.extract_strided_slice %concatenate3A_267 {offsets = [0], sizes = [1024], strides = [1]} : vector<8192xf32> to vector<1024xf32>
    %broadcast_in_dim3A_276 = vector.shape_cast %slice3A_275 : vector<1024xf32> to vector<1x1024xf32>
    %lt3A_277 = vector.broadcast %broadcast_in_dim3A_276 : vector<1x1024xf32> to vector<1024x1024xf32>
    %lt3A_278 = vector.broadcast %broadcast_in_dim3A_269 : vector<1024x1xf32> to vector<1024x1024xf32>
    %lt3A_279 = arith.cmpf olt, %lt3A_277, %lt3A_278 : vector<1024x1024xf32>
    %convert_element_type3A_280 = arith.extui %lt3A_279 : vector<1024x1024xi1> to vector<1024x1024xi32>
    %add3A_281 = arith.addi %broadcast_in_dim3A_274, %convert_element_type3A_280 : vector<1024x1024xi32>
    %eq3A_282 = vector.broadcast %broadcast_in_dim3A_276 : vector<1x1024xf32> to vector<1024x1024xf32>
    %eq3A_283 = vector.broadcast %broadcast_in_dim3A_269 : vector<1024x1xf32> to vector<1024x1024xf32>
    %eq3A_284 = arith.cmpf oeq, %eq3A_282, %eq3A_283 : vector<1024x1024xf32>
    %and3A_285 = arith.andi %eq3A_284, %lt3A_272 : vector<1024x1024xi1>
    %convert_element_type3A_286 = arith.extui %and3A_285 : vector<1024x1024xi1> to vector<1024x1024xi32>
    %add3A_287 = arith.addi %add3A_281, %convert_element_type3A_286 : vector<1024x1024xi32>
    %slice3A_288 = vector.extract_strided_slice %concatenate3A_267 {offsets = [1024], sizes = [1024], strides = [1]} : vector<8192xf32> to vector<1024xf32>
    %broadcast_in_dim3A_289 = vector.shape_cast %slice3A_288 : vector<1024xf32> to vector<1x1024xf32>
    %lt3A_290 = vector.broadcast %broadcast_in_dim3A_289 : vector<1x1024xf32> to vector<1024x1024xf32>
    %lt3A_291 = vector.broadcast %broadcast_in_dim3A_269 : vector<1024x1xf32> to vector<1024x1024xf32>
    %lt3A_292 = arith.cmpf olt, %lt3A_290, %lt3A_291 : vector<1024x1024xf32>
    %convert_element_type3A_293 = arith.extui %lt3A_292 : vector<1024x1024xi1> to vector<1024x1024xi32>
    %add3A_294 = arith.addi %add3A_287, %convert_element_type3A_293 : vector<1024x1024xi32>
    %slice3A_295 = vector.extract_strided_slice %concatenate3A_267 {offsets = [2048], sizes = [1024], strides = [1]} : vector<8192xf32> to vector<1024xf32>
    %broadcast_in_dim3A_296 = vector.shape_cast %slice3A_295 : vector<1024xf32> to vector<1x1024xf32>
    %lt3A_297 = vector.broadcast %broadcast_in_dim3A_296 : vector<1x1024xf32> to vector<1024x1024xf32>
    %lt3A_298 = vector.broadcast %broadcast_in_dim3A_269 : vector<1024x1xf32> to vector<1024x1024xf32>
    %lt3A_299 = arith.cmpf olt, %lt3A_297, %lt3A_298 : vector<1024x1024xf32>
    %convert_element_type3A_300 = arith.extui %lt3A_299 : vector<1024x1024xi1> to vector<1024x1024xi32>
    %add3A_301 = arith.addi %add3A_294, %convert_element_type3A_300 : vector<1024x1024xi32>
    %slice3A_302 = vector.extract_strided_slice %concatenate3A_267 {offsets = [3072], sizes = [1024], strides = [1]} : vector<8192xf32> to vector<1024xf32>
    %broadcast_in_dim3A_303 = vector.shape_cast %slice3A_302 : vector<1024xf32> to vector<1x1024xf32>
    %lt3A_304 = vector.broadcast %broadcast_in_dim3A_303 : vector<1x1024xf32> to vector<1024x1024xf32>
    %lt3A_305 = vector.broadcast %broadcast_in_dim3A_269 : vector<1024x1xf32> to vector<1024x1024xf32>
    %lt3A_306 = arith.cmpf olt, %lt3A_304, %lt3A_305 : vector<1024x1024xf32>
    %convert_element_type3A_307 = arith.extui %lt3A_306 : vector<1024x1024xi1> to vector<1024x1024xi32>
    %add3A_308 = arith.addi %add3A_301, %convert_element_type3A_307 : vector<1024x1024xi32>
    %slice3A_309 = vector.extract_strided_slice %concatenate3A_267 {offsets = [4096], sizes = [1024], strides = [1]} : vector<8192xf32> to vector<1024xf32>
    %broadcast_in_dim3A_310 = vector.shape_cast %slice3A_309 : vector<1024xf32> to vector<1x1024xf32>
    %lt3A_311 = vector.broadcast %broadcast_in_dim3A_310 : vector<1x1024xf32> to vector<1024x1024xf32>
    %lt3A_312 = vector.broadcast %broadcast_in_dim3A_269 : vector<1024x1xf32> to vector<1024x1024xf32>
    %lt3A_313 = arith.cmpf olt, %lt3A_311, %lt3A_312 : vector<1024x1024xf32>
    %convert_element_type3A_314 = arith.extui %lt3A_313 : vector<1024x1024xi1> to vector<1024x1024xi32>
    %add3A_315 = arith.addi %add3A_308, %convert_element_type3A_314 : vector<1024x1024xi32>
    %slice3A_316 = vector.extract_strided_slice %concatenate3A_267 {offsets = [5120], sizes = [1024], strides = [1]} : vector<8192xf32> to vector<1024xf32>
    %broadcast_in_dim3A_317 = vector.shape_cast %slice3A_316 : vector<1024xf32> to vector<1x1024xf32>
    %lt3A_318 = vector.broadcast %broadcast_in_dim3A_317 : vector<1x1024xf32> to vector<1024x1024xf32>
    %lt3A_319 = vector.broadcast %broadcast_in_dim3A_269 : vector<1024x1xf32> to vector<1024x1024xf32>
    %lt3A_320 = arith.cmpf olt, %lt3A_318, %lt3A_319 : vector<1024x1024xf32>
    %convert_element_type3A_321 = arith.extui %lt3A_320 : vector<1024x1024xi1> to vector<1024x1024xi32>
    %add3A_322 = arith.addi %add3A_315, %convert_element_type3A_321 : vector<1024x1024xi32>
    %slice3A_323 = vector.extract_strided_slice %concatenate3A_267 {offsets = [6144], sizes = [1024], strides = [1]} : vector<8192xf32> to vector<1024xf32>
    %broadcast_in_dim3A_324 = vector.shape_cast %slice3A_323 : vector<1024xf32> to vector<1x1024xf32>
    %lt3A_325 = vector.broadcast %broadcast_in_dim3A_324 : vector<1x1024xf32> to vector<1024x1024xf32>
    %lt3A_326 = vector.broadcast %broadcast_in_dim3A_269 : vector<1024x1xf32> to vector<1024x1024xf32>
    %lt3A_327 = arith.cmpf olt, %lt3A_325, %lt3A_326 : vector<1024x1024xf32>
    %convert_element_type3A_328 = arith.extui %lt3A_327 : vector<1024x1024xi1> to vector<1024x1024xi32>
    %add3A_329 = arith.addi %add3A_322, %convert_element_type3A_328 : vector<1024x1024xi32>
    %slice3A_330 = vector.extract_strided_slice %concatenate3A_267 {offsets = [7168], sizes = [1024], strides = [1]} : vector<8192xf32> to vector<1024xf32>
    %broadcast_in_dim3A_331 = vector.shape_cast %slice3A_330 : vector<1024xf32> to vector<1x1024xf32>
    %lt3A_332 = vector.broadcast %broadcast_in_dim3A_331 : vector<1x1024xf32> to vector<1024x1024xf32>
    %lt3A_333 = vector.broadcast %broadcast_in_dim3A_269 : vector<1024x1xf32> to vector<1024x1024xf32>
    %lt3A_334 = arith.cmpf olt, %lt3A_332, %lt3A_333 : vector<1024x1024xf32>
    %convert_element_type3A_335 = arith.extui %lt3A_334 : vector<1024x1024xi1> to vector<1024x1024xi32>
    %add3A_336 = arith.addi %add3A_329, %convert_element_type3A_335 : vector<1024x1024xi32>
    %reduce_sum3A_337 = arith.constant dense<0> : vector<1024xi32>
    %reduce_sum3A_338 = vector.multi_reduction <add>, %add3A_336, %reduce_sum3A_337 [1] : vector<1024x1024xi32> to vector<1024xi32>
    %add3A_339 = arith.constant 1 : i32
    %add3A_340 = vector.broadcast %add3A_339 : i32 to vector<1024xi32>
    %add3A_341 = arith.addi %reduce_sum3A_338, %add3A_340 : vector<1024xi32>
    %reshape3A_342 = vector.shape_cast %add3A_341 : vector<1024xi32> to vector<8x128xi32>
    %swap3A_343 = arith.constant 0 : index
    %swap3A_344 = arith.constant 2 : index
    %swap3A_345 = arith.constant 0 : index
    %swap3A_346 = arith.constant 0 : index
    %swap3A_347 = vector.load %arg3[%swap3A_343, %swap3A_344, %swap3A_345, %swap3A_346] : memref<1x4x8x128xi32, #tpu.memory_space<vmem>>, vector<1x1x8x128xi32>
    %swap3A_348 = vector.shape_cast %swap3A_347 : vector<1x1x8x128xi32> to vector<8x128xi32>
    %swap3A_349 = vector.shape_cast %reshape3A_342 : vector<8x128xi32> to vector<1x1x8x128xi32>
    tpu.vector_store %arg3[%swap3A_343, %swap3A_344, %swap3A_345, %swap3A_346], %swap3A_349 {strides = array<i32>} : memref<1x4x8x128xi32, #tpu.memory_space<vmem>>, vector<1x1x8x128xi32>,
    %get3A_350 = arith.constant 0 : index
    %get3A_351 = arith.constant 3 : index
    %get3A_352 = arith.constant 0 : index
    %get3A_353 = arith.constant 0 : index
    %get3A_354 = vector.load %arg1[%get3A_350, %get3A_351, %get3A_352, %get3A_353] : memref<1x4x8x128xf32, #tpu.memory_space<vmem>>, vector<1x1x1x128xf32>
    %get3A_355 = vector.shape_cast %get3A_354 : vector<1x1x1x128xf32> to vector<1x128xf32>
    %get3A_356 = arith.index_cast %rem3A_0 : i32 to index
    %get3A_357 = arith.constant 3 : index
    %get3A_358 = arith.constant 0 : index
    %get3A_359 = arith.constant 0 : index
    %get3A_360 = vector.load %arg4[%get3A_356, %get3A_357, %get3A_358, %get3A_359] : memref<2x4x8192x128xf32, #tpu.memory_space<vmem>>, vector<1x1x8192x128xf32>
    %get3A_361 = vector.shape_cast %get3A_360 : vector<1x1x8192x128xf32> to vector<8192x128xf32>
    %dot_general3A_362 = arith.constant dense<0.000000e+00> : vector<1x8192xf32>
    %dot_general3A_363 = tpu.matmul %get3A_355, %get3A_361, %dot_general3A_362 {dimension_numbers = #tpu.dot_dimension_numbers<[1], [1], [0], [0], [0, 0, 1, 0], [], []>, transpose_lhs_hint = false} : vector<1x128xf32>, vector<8192x128xf32>, vector<1x8192xf32> -> vector<1x8192xf32>
    %reshape3A_364 = vector.shape_cast %dot_general3A_363 : vector<1x8192xf32> to vector<8192xf32>
    %slice3A_365 = vector.extract_strided_slice %reshape3A_364 {offsets = [1], sizes = [8191], strides = [1]} : vector<8192xf32> to vector<8191xf32>
    %broadcast_in_dim3A_366 = arith.constant 0x7F800000 : f32
    %broadcast_in_dim3A_367 = vector.broadcast %broadcast_in_dim3A_366 : f32 to vector<1xf32>
    %concatenate3A_368 = tpu.concatenate %slice3A_365, %broadcast_in_dim3A_367 in 0 : vector<8191xf32>, vector<1xf32> -> vector<8192xf32>
    %slice3A_369 = vector.extract_strided_slice %concatenate3A_368 {offsets = [0], sizes = [1024], strides = [1]} : vector<8192xf32> to vector<1024xf32>
    %broadcast_in_dim3A_370 = vector.shape_cast %slice3A_369 : vector<1024xf32> to vector<1024x1xf32>
    %iota3A_371 = tpu.iota {dimensions = array<i32: 1>} : vector<1024x1024xi32>
    %iota3A_372 = tpu.iota {dimensions = array<i32: 0>} : vector<1024x1024xi32>
    %lt3A_373 = arith.cmpi slt, %iota3A_371, %iota3A_372 : vector<1024x1024xi32>
    %broadcast_in_dim3A_374 = arith.constant 0 : i32
    %broadcast_in_dim3A_375 = vector.broadcast %broadcast_in_dim3A_374 : i32 to vector<1024x1024xi32>
    %slice3A_376 = vector.extract_strided_slice %concatenate3A_368 {offsets = [0], sizes = [1024], strides = [1]} : vector<8192xf32> to vector<1024xf32>
    %broadcast_in_dim3A_377 = vector.shape_cast %slice3A_376 : vector<1024xf32> to vector<1x1024xf32>
    %lt3A_378 = vector.broadcast %broadcast_in_dim3A_377 : vector<1x1024xf32> to vector<1024x1024xf32>
    %lt3A_379 = vector.broadcast %broadcast_in_dim3A_370 : vector<1024x1xf32> to vector<1024x1024xf32>
    %lt3A_380 = arith.cmpf olt, %lt3A_378, %lt3A_379 : vector<1024x1024xf32>
    %convert_element_type3A_381 = arith.extui %lt3A_380 : vector<1024x1024xi1> to vector<1024x1024xi32>
    %add3A_382 = arith.addi %broadcast_in_dim3A_375, %convert_element_type3A_381 : vector<1024x1024xi32>
    %eq3A_383 = vector.broadcast %broadcast_in_dim3A_377 : vector<1x1024xf32> to vector<1024x1024xf32>
    %eq3A_384 = vector.broadcast %broadcast_in_dim3A_370 : vector<1024x1xf32> to vector<1024x1024xf32>
    %eq3A_385 = arith.cmpf oeq, %eq3A_383, %eq3A_384 : vector<1024x1024xf32>
    %and3A_386 = arith.andi %eq3A_385, %lt3A_373 : vector<1024x1024xi1>
    %convert_element_type3A_387 = arith.extui %and3A_386 : vector<1024x1024xi1> to vector<1024x1024xi32>
    %add3A_388 = arith.addi %add3A_382, %convert_element_type3A_387 : vector<1024x1024xi32>
    %slice3A_389 = vector.extract_strided_slice %concatenate3A_368 {offsets = [1024], sizes = [1024], strides = [1]} : vector<8192xf32> to vector<1024xf32>
    %broadcast_in_dim3A_390 = vector.shape_cast %slice3A_389 : vector<1024xf32> to vector<1x1024xf32>
    %lt3A_391 = vector.broadcast %broadcast_in_dim3A_390 : vector<1x1024xf32> to vector<1024x1024xf32>
    %lt3A_392 = vector.broadcast %broadcast_in_dim3A_370 : vector<1024x1xf32> to vector<1024x1024xf32>
    %lt3A_393 = arith.cmpf olt, %lt3A_391, %lt3A_392 : vector<1024x1024xf32>
    %convert_element_type3A_394 = arith.extui %lt3A_393 : vector<1024x1024xi1> to vector<1024x1024xi32>
    %add3A_395 = arith.addi %add3A_388, %convert_element_type3A_394 : vector<1024x1024xi32>
    %slice3A_396 = vector.extract_strided_slice %concatenate3A_368 {offsets = [2048], sizes = [1024], strides = [1]} : vector<8192xf32> to vector<1024xf32>
    %broadcast_in_dim3A_397 = vector.shape_cast %slice3A_396 : vector<1024xf32> to vector<1x1024xf32>
    %lt3A_398 = vector.broadcast %broadcast_in_dim3A_397 : vector<1x1024xf32> to vector<1024x1024xf32>
    %lt3A_399 = vector.broadcast %broadcast_in_dim3A_370 : vector<1024x1xf32> to vector<1024x1024xf32>
    %lt3A_400 = arith.cmpf olt, %lt3A_398, %lt3A_399 : vector<1024x1024xf32>
    %convert_element_type3A_401 = arith.extui %lt3A_400 : vector<1024x1024xi1> to vector<1024x1024xi32>
    %add3A_402 = arith.addi %add3A_395, %convert_element_type3A_401 : vector<1024x1024xi32>
    %slice3A_403 = vector.extract_strided_slice %concatenate3A_368 {offsets = [3072], sizes = [1024], strides = [1]} : vector<8192xf32> to vector<1024xf32>
    %broadcast_in_dim3A_404 = vector.shape_cast %slice3A_403 : vector<1024xf32> to vector<1x1024xf32>
    %lt3A_405 = vector.broadcast %broadcast_in_dim3A_404 : vector<1x1024xf32> to vector<1024x1024xf32>
    %lt3A_406 = vector.broadcast %broadcast_in_dim3A_370 : vector<1024x1xf32> to vector<1024x1024xf32>
    %lt3A_407 = arith.cmpf olt, %lt3A_405, %lt3A_406 : vector<1024x1024xf32>
    %convert_element_type3A_408 = arith.extui %lt3A_407 : vector<1024x1024xi1> to vector<1024x1024xi32>
    %add3A_409 = arith.addi %add3A_402, %convert_element_type3A_408 : vector<1024x1024xi32>
    %slice3A_410 = vector.extract_strided_slice %concatenate3A_368 {offsets = [4096], sizes = [1024], strides = [1]} : vector<8192xf32> to vector<1024xf32>
    %broadcast_in_dim3A_411 = vector.shape_cast %slice3A_410 : vector<1024xf32> to vector<1x1024xf32>
    %lt3A_412 = vector.broadcast %broadcast_in_dim3A_411 : vector<1x1024xf32> to vector<1024x1024xf32>
    %lt3A_413 = vector.broadcast %broadcast_in_dim3A_370 : vector<1024x1xf32> to vector<1024x1024xf32>
    %lt3A_414 = arith.cmpf olt, %lt3A_412, %lt3A_413 : vector<1024x1024xf32>
    %convert_element_type3A_415 = arith.extui %lt3A_414 : vector<1024x1024xi1> to vector<1024x1024xi32>
    %add3A_416 = arith.addi %add3A_409, %convert_element_type3A_415 : vector<1024x1024xi32>
    %slice3A_417 = vector.extract_strided_slice %concatenate3A_368 {offsets = [5120], sizes = [1024], strides = [1]} : vector<8192xf32> to vector<1024xf32>
    %broadcast_in_dim3A_418 = vector.shape_cast %slice3A_417 : vector<1024xf32> to vector<1x1024xf32>
    %lt3A_419 = vector.broadcast %broadcast_in_dim3A_418 : vector<1x1024xf32> to vector<1024x1024xf32>
    %lt3A_420 = vector.broadcast %broadcast_in_dim3A_370 : vector<1024x1xf32> to vector<1024x1024xf32>
    %lt3A_421 = arith.cmpf olt, %lt3A_419, %lt3A_420 : vector<1024x1024xf32>
    %convert_element_type3A_422 = arith.extui %lt3A_421 : vector<1024x1024xi1> to vector<1024x1024xi32>
    %add3A_423 = arith.addi %add3A_416, %convert_element_type3A_422 : vector<1024x1024xi32>
    %slice3A_424 = vector.extract_strided_slice %concatenate3A_368 {offsets = [6144], sizes = [1024], strides = [1]} : vector<8192xf32> to vector<1024xf32>
    %broadcast_in_dim3A_425 = vector.shape_cast %slice3A_424 : vector<1024xf32> to vector<1x1024xf32>
    %lt3A_426 = vector.broadcast %broadcast_in_dim3A_425 : vector<1x1024xf32> to vector<1024x1024xf32>
    %lt3A_427 = vector.broadcast %broadcast_in_dim3A_370 : vector<1024x1xf32> to vector<1024x1024xf32>
    %lt3A_428 = arith.cmpf olt, %lt3A_426, %lt3A_427 : vector<1024x1024xf32>
    %convert_element_type3A_429 = arith.extui %lt3A_428 : vector<1024x1024xi1> to vector<1024x1024xi32>
    %add3A_430 = arith.addi %add3A_423, %convert_element_type3A_429 : vector<1024x1024xi32>
    %slice3A_431 = vector.extract_strided_slice %concatenate3A_368 {offsets = [7168], sizes = [1024], strides = [1]} : vector<8192xf32> to vector<1024xf32>
    %broadcast_in_dim3A_432 = vector.shape_cast %slice3A_431 : vector<1024xf32> to vector<1x1024xf32>
    %lt3A_433 = vector.broadcast %broadcast_in_dim3A_432 : vector<1x1024xf32> to vector<1024x1024xf32>
    %lt3A_434 = vector.broadcast %broadcast_in_dim3A_370 : vector<1024x1xf32> to vector<1024x1024xf32>
    %lt3A_435 = arith.cmpf olt, %lt3A_433, %lt3A_434 : vector<1024x1024xf32>
    %convert_element_type3A_436 = arith.extui %lt3A_435 : vector<1024x1024xi1> to vector<1024x1024xi32>
    %add3A_437 = arith.addi %add3A_430, %convert_element_type3A_436 : vector<1024x1024xi32>
    %reduce_sum3A_438 = arith.constant dense<0> : vector<1024xi32>
    %reduce_sum3A_439 = vector.multi_reduction <add>, %add3A_437, %reduce_sum3A_438 [1] : vector<1024x1024xi32> to vector<1024xi32>
    %add3A_440 = arith.constant 1 : i32
    %add3A_441 = vector.broadcast %add3A_440 : i32 to vector<1024xi32>
    %add3A_442 = arith.addi %reduce_sum3A_439, %add3A_441 : vector<1024xi32>
    %reshape3A_443 = vector.shape_cast %add3A_442 : vector<1024xi32> to vector<8x128xi32>
    %swap3A_444 = arith.constant 0 : index
    %swap3A_445 = arith.constant 3 : index
    %swap3A_446 = arith.constant 0 : index
    %swap3A_447 = arith.constant 0 : index
    %swap3A_448 = vector.load %arg3[%swap3A_444, %swap3A_445, %swap3A_446, %swap3A_447] : memref<1x4x8x128xi32, #tpu.memory_space<vmem>>, vector<1x1x8x128xi32>
    %swap3A_449 = vector.shape_cast %swap3A_448 : vector<1x1x8x128xi32> to vector<8x128xi32>
    %swap3A_450 = vector.shape_cast %reshape3A_443 : vector<8x128xi32> to vector<1x1x8x128xi32>
    tpu.vector_store %arg3[%swap3A_444, %swap3A_445, %swap3A_446, %swap3A_447], %swap3A_450 {strides = array<i32>} : memref<1x4x8x128xi32, #tpu.memory_space<vmem>>, vector<1x1x8x128xi32>,
    return
  }
  func.func @transform_0(%arg0: i32) -> (i32, i32, i32, i32) {
    %jit3A = arith.constant 4 : i32
    %div3A = arith.divsi %arg0, %jit3A : i32
    %sign3A = arith.constant 0 : i32
    %sign3A_0 = arith.cmpi sgt, %arg0, %sign3A : i32
    %sign3A_1 = arith.extui %sign3A_0 : i1 to i32
    %sign3A_2 = arith.constant 0 : i32
    %sign3A_3 = arith.cmpi slt, %arg0, %sign3A_2 : i32
    %sign3A_4 = arith.extui %sign3A_3 : i1 to i32
    %sign3A_5 = arith.subi %sign3A_1, %sign3A_4 : i32
    %sign3A_6 = arith.constant 0 : i32
    %sign3A_7 = arith.cmpi sgt, %jit3A, %sign3A_6 : i32
    %sign3A_8 = arith.extui %sign3A_7 : i1 to i32
    %sign3A_9 = arith.constant 0 : i32
    %sign3A_10 = arith.cmpi slt, %jit3A, %sign3A_9 : i32
    %sign3A_11 = arith.extui %sign3A_10 : i1 to i32
    %sign3A_12 = arith.subi %sign3A_8, %sign3A_11 : i32
    %ne3A = arith.cmpi ne, %sign3A_5, %sign3A_12 : i32
    %rem3A = arith.remsi %arg0, %jit3A : i32
    %ne3A_13 = arith.constant 0 : i32
    %ne3A_14 = arith.cmpi ne, %rem3A, %ne3A_13 : i32
    %and3A = arith.andi %ne3A, %ne3A_14 : i1
    %sub3A = arith.constant 1 : i32
    %sub3A_15 = arith.subi %div3A, %sub3A : i32
    %select_n3A = arith.select %and3A, %sub3A_15, %div3A : i32
    %jit3A_16 = arith.constant 4 : i32
    %eq3A = arith.constant 0 : i32
    %eq3A_17 = arith.cmpi eq, %jit3A_16, %eq3A : i32
    %jit3A_18 = arith.constant 1 : i32
    %select_n3A_19 = arith.select %eq3A_17, %jit3A_18, %jit3A_16 : i32
    %rem3A_20 = arith.remsi %arg0, %select_n3A_19 : i32
    %ne3A_21 = arith.constant 0 : i32
    %ne3A_22 = arith.cmpi ne, %rem3A_20, %ne3A_21 : i32
    %lt3A = arith.constant 0 : i32
    %lt3A_23 = arith.cmpi slt, %rem3A_20, %lt3A : i32
    %lt3A_24 = arith.constant 0 : i32
    %lt3A_25 = arith.cmpi slt, %select_n3A_19, %lt3A_24 : i32
    %ne3A_26 = arith.xori %lt3A_23, %lt3A_25 : i1
    %and3A_27 = arith.andi %ne3A_26, %ne3A_22 : i1
    %add3A = arith.addi %rem3A_20, %select_n3A_19 : i32
    %select_n3A_28 = arith.select %and3A_27, %add3A, %rem3A_20 : i32
    %c0_i32 = arith.constant 0 : i32
    %c0_i32_29 = arith.constant 0 : i32
    %c0_i32_30 = arith.constant 0 : i32
    return %select_n3A, %select_n3A_28, %c0_i32, %c0_i32_29 : i32, i32, i32, i32
  }
  func.func @transform_2(%arg0: i32) -> (i32, i32, i32, i32) {
    %jit3A = arith.constant 4 : i32
    %div3A = arith.divsi %arg0, %jit3A : i32
    %sign3A = arith.constant 0 : i32
    %sign3A_0 = arith.cmpi sgt, %arg0, %sign3A : i32
    %sign3A_1 = arith.extui %sign3A_0 : i1 to i32
    %sign3A_2 = arith.constant 0 : i32
    %sign3A_3 = arith.cmpi slt, %arg0, %sign3A_2 : i32
    %sign3A_4 = arith.extui %sign3A_3 : i1 to i32
    %sign3A_5 = arith.subi %sign3A_1, %sign3A_4 : i32
    %sign3A_6 = arith.constant 0 : i32
    %sign3A_7 = arith.cmpi sgt, %jit3A, %sign3A_6 : i32
    %sign3A_8 = arith.extui %sign3A_7 : i1 to i32
    %sign3A_9 = arith.constant 0 : i32
    %sign3A_10 = arith.cmpi slt, %jit3A, %sign3A_9 : i32
    %sign3A_11 = arith.extui %sign3A_10 : i1 to i32
    %sign3A_12 = arith.subi %sign3A_8, %sign3A_11 : i32
    %ne3A = arith.cmpi ne, %sign3A_5, %sign3A_12 : i32
    %rem3A = arith.remsi %arg0, %jit3A : i32
    %ne3A_13 = arith.constant 0 : i32
    %ne3A_14 = arith.cmpi ne, %rem3A, %ne3A_13 : i32
    %and3A = arith.andi %ne3A, %ne3A_14 : i1
    %sub3A = arith.constant 1 : i32
    %sub3A_15 = arith.subi %div3A, %sub3A : i32
    %select_n3A = arith.select %and3A, %sub3A_15, %div3A : i32
    %jit3A_16 = arith.constant 4 : i32
    %eq3A = arith.constant 0 : i32
    %eq3A_17 = arith.cmpi eq, %jit3A_16, %eq3A : i32
    %jit3A_18 = arith.constant 1 : i32
    %select_n3A_19 = arith.select %eq3A_17, %jit3A_18, %jit3A_16 : i32
    %rem3A_20 = arith.remsi %arg0, %select_n3A_19 : i32
    %ne3A_21 = arith.constant 0 : i32
    %ne3A_22 = arith.cmpi ne, %rem3A_20, %ne3A_21 : i32
    %lt3A = arith.constant 0 : i32
    %lt3A_23 = arith.cmpi slt, %rem3A_20, %lt3A : i32
    %lt3A_24 = arith.constant 0 : i32
    %lt3A_25 = arith.cmpi slt, %select_n3A_19, %lt3A_24 : i32
    %ne3A_26 = arith.xori %lt3A_23, %lt3A_25 : i1
    %and3A_27 = arith.andi %ne3A_26, %ne3A_22 : i1
    %add3A = arith.addi %rem3A_20, %select_n3A_19 : i32
    %select_n3A_28 = arith.select %and3A_27, %add3A, %rem3A_20 : i32
    %c0_i32 = arith.constant 0 : i32
    %c0_i32_29 = arith.constant 0 : i32
    %c0_i32_30 = arith.constant 0 : i32
    return %select_n3A, %select_n3A_28, %c0_i32, %c0_i32_29 : i32, i32, i32, i32
  }
}

</mosaic_0001>

<sc_bundles>
// kernel: kernel.4.cloned.1.call-start
scs
__scs_entry_jumppad:
0x0: {  	(pc) =	sbr.rel $0x88, $3  }
0x1: {  	(tag) =	ssettag $0x0;
	lr =	simm.s32 $0x1  }
0x2: {  	[smem:$0x3F9F] =	sst lr;
	_ =	strace $0xD0000000  }
0x3: {  	_ = 	snop  }
0x4: {  	_ = 	snop  }
0x5: {  	_ = 	snop  }
0x6: {  	_ = 	snop  }
0x7: {  	_ = 	snop  }
__scs_overlays_trampoline_lowered:
0x8: {  	[smem:$0x3FAE] =	sst s0  }
0x9: {  	[smem:$0x3FAF] =	sst s1  }
0xa: {  	[smem:$0x3FB0] =	sst s2  }
0xb: {  	[smem:$0x3FB1] =	sst s3  }
0xc: {  	[smem:$0x3FB2] =	sst s4  }
0xd: {  	[smem:$0x3FB3] =	sst s5  }
0xe: {  	[smem:$0x3FB4] =	sst s6  }
0xf: {  	[smem:$0x3FB5] =	sst s7  }
0x10: {  	[smem:$0x3FB6] =	sst s8  }
0x11: {  	[smem:$0x3FB7] =	sst s9;
	s0 =	simm.s32 @!p0 $0x0  }
0x12: {  	s1 =	sld [smem:$0x3F9D];
	s0 =	simm.s32 @p0 $0x1  }
0x13: {  	[smem:$0x3FB8] =	sst s0;
	s0 =	simm.s32 @!p1 $0x0  }
0x14: {  	s2 =	sld [smem:$0x3F9C];
	s0 =	simm.s32 @p1 $0x1  }
0x15: {  	[smem:$0x3FB9] =	sst s0;
	s0 =	simm.s32 @!p2 $0x0  }
0x16: {  	s3 =	sld [smem:$0x3FDB];
	s0 =	simm.s32 @p2 $0x1  }
0x17: {  	s4 =	simm.s32 $0x1BF5;
	[smem:$0x3FBB] =	sst s0  }
0x18: {  	s0 =	sld [smem:$0x3F9E];
	_ =	swait.ge [sflag:s4], $0x0  }
0x19: {  	s7 =	sld [smem:$0x3F9F]  }
0x1a: {  	s8 =	sadd.s32 $0xFFFFE003, lr  }
0x1b: {  	s9 =	sadd.s32 $0xFFFFFEF7, lr;
	s5 =	simm.s32 $0xFFFFFFFF;
	p2 =	slt.u32 s8, $0xFFFFF086  }
0x1c: {  	p1 =	slt.u32 s9, $0xF7A;
	s5 =	simm.s32 @!p2 $0x0  }
0x1d: {  	s5 =	simm.s32 @p1 $0x1;
	p0 =	seq.s32 s7, s2  }
0x1e: {  	s7 =	smul.u32 @!p0 $0xF7A, s2;
	p2 =	seq.s32 @!p0 s5, $0x0  }
0x1f: {  	s9 =	smul.u32 $0xF7A, s1;
	s8 =	simm.s32 @!p0 $0x1BF5;
	p2 =	por !p2, p0  }
0x20: {  	[sflag:s8] =	ssyncset.s32 @!p0 $0xFFFFF086;
	s6 =	sadd.s32 @!p0 s3, s7;
	s7 =	simm.s32 @!p0 $0x108  }
0x21: {  	s3 =	sadd.s32 s3, s9;
	s6 =	sadd.s32 @!p0 $0x88, s6;
	s7 =	simm.s32 @p2 $0x1082  }
0x22: {  	[simem:s7], [sflag:s8] =	dma.local @!p0 [hbm:s6], $0xF7A  }
0x23: {  	s9 =	sor.u32 $0xD0000000, s2;
	s6 =	simm.s32 $0x108;
	_ =	swait.ge @!p0 [sflag:s8], $0x0  }
0x24: {  	s3 =	sadd.s32 $0x88, s3;
	s6 =	simm.s32 @!p1 $0x1082;
	[sflag:s4] =	ssyncset.s32 $0xFFFFF086  }
0x25: {  	[simem:s6], [sflag:s4] =	dma.local [hbm:s3], $0xF7A  }
0x26: {  	[smem:$0x3F9F] =	sst s1;
	(tag) =	ssettag s2;
	_ =	strace s9  }
0x27: {  	s1 =	sld [smem:$0x3FAF]  }
0x28: {  	s2 =	sld [smem:$0x3FB0]  }
0x29: {  	s4 =	sld [smem:$0x3FB2]  }
0x2a: {  	p0 =	seq.s32 s5, $0x0;
	s5 =	sld [smem:$0x3FB3]  }
0x2b: {  	s6 =	sld [smem:$0x3FB4]  }
0x2c: {  	s7 =	sld [smem:$0x3FB5]  }
0x2d: {  	s3 =	simm.s32 $0x108;
	s8 =	sld [smem:$0x3FB6]  }
0x2e: {  	s3 =	simm.s32 @!p0 $0x1082;
	s9 =	sld [smem:$0x3FB7]  }
0x2f: {  	lr =	sadd.s32 s0, s3;
	s0 =	sld [smem:$0x3FAE]  }
0x30: {  	s3 =	sld [smem:$0x3FB1]  }
0x31: {  	[smem:$0x3FBA] =	sst s10  }
0x32: {  	s10 =	sld [smem:$0x3FB8];
	_ =	sdelay $0x3  }
0x33: {  	p0 =	seq.s32 s10, $0x1;
	s10 =	sld [smem:$0x3FBA];
	_ =	sdelay $0x3  }
0x34: {  	[smem:$0x3FBA] =	sst s10  }
0x35: {  	s10 =	sld [smem:$0x3FB9];
	_ =	sdelay $0x3  }
0x36: {  	p1 =	seq.s32 s10, $0x1;
	s10 =	sld [smem:$0x3FBA];
	_ =	sdelay $0x3  }
0x37: {  	[smem:$0x3FBA] =	sst s10  }
0x38: {  	s10 =	sld [smem:$0x3FBB]  }
0x39: {  	_ = 	snop;
	(pc) =	sbr.ind lr, $3  }
0x3a: {  	_ = 	snop  }
0x3b: {  	_ = 	snop  }
0x3c: {  	p2 =	seq.s32 s10, $0x1;
	s10 =	sld [smem:$0x3FBA]  }
0x3d: {  	_ =	shalt  }
0x3e: {  	_ =	shalt  }
0x3f: {  	_ =	shalt  }
0x40: {  	_ =	shalt  }
0x41: {  	_ =	shalt  }
0x42: {  	_ =	shalt  }
0x43: {  	_ =	shalt  }
0x44: {  	_ =	shalt  }
0x45: {  	_ =	shalt  }
0x46: {  	_ =	shalt  }
0x47: {  	_ =	shalt  }
0x48: {  	_ =	shalt  }
0x49: {  	_ =	shalt  }
0x4a: {  	_ =	shalt  }
0x4b: {  	_ =	shalt  }
0x4c: {  	_ =	shalt  }
0x4d: {  	_ =	shalt  }
0x4e: {  	_ =	shalt  }
0x4f: {  	_ =	shalt  }
0x50: {  	_ =	shalt  }
0x51: {  	_ =	shalt  }
0x52: {  	_ =	shalt  }
0x53: {  	_ =	shalt  }
0x54: {  	_ =	shalt  }
0x55: {  	_ =	shalt  }
0x56: {  	_ =	shalt  }
0x57: {  	_ =	shalt  }
0x58: {  	_ =	shalt  }
0x59: {  	_ =	shalt  }
0x5a: {  	_ =	shalt  }
0x5b: {  	_ =	shalt  }
0x5c: {  	_ =	shalt  }
0x5d: {  	_ =	shalt  }
0x5e: {  	_ =	shalt  }
0x5f: {  	_ =	shalt  }
0x60: {  	_ =	shalt  }
0x61: {  	_ =	shalt  }
0x62: {  	_ =	shalt  }
0x63: {  	_ =	shalt  }
0x64: {  	_ =	shalt  }
0x65: {  	_ =	shalt  }
0x66: {  	_ =	shalt  }
0x67: {  	_ =	shalt  }
0x68: {  	_ =	shalt  }
0x69: {  	_ =	shalt  }
0x6a: {  	_ =	shalt  }
0x6b: {  	_ =	shalt  }
0x6c: {  	_ =	shalt  }
0x6d: {  	_ =	shalt  }
0x6e: {  	_ =	shalt  }
0x6f: {  	_ =	shalt  }
0x70: {  	_ =	shalt  }
0x71: {  	_ =	shalt  }
0x72: {  	_ =	shalt  }
0x73: {  	_ =	shalt  }
0x74: {  	_ =	shalt  }
0x75: {  	_ =	shalt  }
0x76: {  	_ =	shalt  }
0x77: {  	_ =	shalt  }
0x78: {  	_ =	shalt  }
0x79: {  	_ =	shalt  }
0x7a: {  	_ =	shalt  }
0x7b: {  	_ =	shalt  }
0x7c: {  	_ =	shalt  }
0x7d: {  	_ =	shalt  }
0x7e: {  	_ =	shalt  }
0x7f: {  	_ =	shalt  }
0x80: {  	_ =	shalt  }
0x81: {  	_ =	shalt  }
0x82: {  	_ =	shalt  }
0x83: {  	_ =	shalt  }
0x84: {  	_ =	shalt  }
0x85: {  	_ =	shalt  }
0x86: {  	_ =	shalt  }
0x87: {  	_ =	shalt  }
.Lfunc_end0:
.L_simem_size_0:
called_computation_lowered:
.L_overlay_start_0:
0x88: {  	s2 =	sld [smem:$0x3FD9]  }
0x89: {  	s3 =	sld [smem:$0x3FFE];
	_ =	sdelay $0x1  }
0x8a: {  	s1 =	srdreg.scid  }
0x8b: {  	s0 =	sand.u32 $0x1, s1  }
0x8c: {  	s16 =	sshll.u32 s0, $0xA;
	s2 =	sadd.s32 s3, s2  }
0x8d: {  	s2 =	sadd.s32 s2, s16  }
0x8e: {  	[smem:$0x3FC6] =	sst s2  }
0x8f: {  	_ = 	snop  }
0x90: {  	(tm) =	ssettm $0x1  }
0x91: {  	s17 =	sld [smem:$0x3FFB];
	_ =	sdelay $0x3  }
0x92: {  	_ =	strace s17  }
0x93: {  	s2 =	sld [smem:$0x3FFC];
	_ =	sdelay $0x3  }
0x94: {  	_ =	strace s2  }
0x95: {  	s2 =	sld [smem:$0x3FFD];
	_ =	sdelay $0x3  }
0x96: {  	_ =	strace s2  }
0x97: {  	_ =	strace $0x8FFFFFFF  }
0x98: {  	s18 =	sld [smem:$0x3FDB];
	_ =	sdelay $0x1  }
0x99: {  	s19 =	simm.s32 $_scs_section_size  }
0x9a: {  	s4 =	simm.s32 $_size__tile_overlayer_lowered;
	s5 =	simm.s32 $_tile_overlayer_lowered  }
0x9b: {  	s22 =	simm.s32 $0x1BFF;
	s21 =	sshll.u32 s5, $0x1;
	s2 =	sadd.s32 s19, s18  }
0x9c: {  	s6 =	simm.s32 $0x0;
	s20 =	sshll.u32 s4, $0x1;
	s4 =	sadd.s32 s21, s2  }
0x9d: {  	[timem:s6], [sflag:s22] =	dma.local [hbm:s4], s20  }
0x9e: {  	_ =	swait.ge [sflag:s22], s20  }
0x9f: {  	s3 =	ssub.s32 $0x0, s20;
	[sflag:s22] =	ssyncset.done $0x0  }
0xa0: {  	[sflag:s22] =	ssyncadd.s32 s3;
	_ =	sdelay $0x1  }
0xa1: {  	s23 =	simm.s32 $0x1B8B  }
0xa2: {  	_ =	swait.ge [sflag:s23], $0x1  }
0xa3: {  	[sflag:s23] =	ssyncset.done $0x0  }
0xa4: {  	s25 =	simm.s32 $0x1B8E;
	s24 =	sld [smem:$0x3FFE];
	[sflag:s23] =	ssyncadd.s32 $0xFFFFFFFF  }
0xa5: {  	s26 =	simm.s32 $execute0_lowered;
	[smem:$0x3FD2] =	sst s25  }
0xa6: {  	s4 =	sshll.u32 s26, $0x1;
	_ =	strace $0x80000046;
	[dreg:$0x1] =	wrdreg $0xFFFFFFFF  }
0xa7: {  	s28 =	simm.s32 $_size_execute0_lowered;
	s2 =	sadd.s32 s2, s4;
	[dreg:$0x0] =	wrdreg $0x0  }
0xa8: {  	s4 =	sshll.u32 s28, $0x1;
	[dreg:$0x2] =	wrdreg s2  }
0xa9: {  	[dreg:$0x3] =	wrdreg s4  }
0xaa: {  	[dreg:$0x4] =	wrdreg $0xC0  }
0xab: {  	_ =	task [dreg:s6], $0x5FFFF  }
0xac: {  	[dreg:$0x1] =	wrdreg $0xFFFFFFFF  }
0xad: {  	[dreg:$0x0] =	wrdreg $0x60  }
0xae: {  	[dreg:$0x2] =	wrdreg s24  }
0xaf: {  	[dreg:$0x3] =	wrdreg $0x9  }
0xb0: {  	_ =	task.clear_ibuf [dreg:s6], $0x4FFFF;
	_ =	strace $0x90000046  }
0xb1: {  	s29 =	simm.s32 $0x9;
	_ =	strace $0x80000048  }
0xb2: {  	_ =	swait.ge [sflag:s29], $0x1  }
0xb3: {  	[sflag:s29] =	ssyncadd.s32 $0xFFFFFFFF  }
0xb4: {  	_ =	strace $0x90000048  }
0xb5: {  	_ =	sfence  }
0xb6: {  	s30 =	sld [smem:$0x0];
	_ =	sdelay $0x2  }
0xb7: {  	s31 =	sshll.u32 s1, $0xD;
	s1 =	sshrl.u32 s1, $0x2  }
0xb8: {  	s3 =	sand.u32 $0x4000, s31;
	s1 =	sadd.s32 s1, s30  }
0xb9: {  	s0 =	sor.u32 s3, s0;
	s1 =	sshll.u32 s1, $0x11  }
0xba: {  	s0 =	sor.u32 s1, s0  }
0xbb: {  	s0 =	sadd.s32 $0x8F2B, s0  }
0xbc: {  	[sflag:s0] =	ssyncadd.remote.s32 $0x1  }
0xbd: {  	_ =	sfence.sel $0xFFFF  }
0xbe: {  	[dreg:$0x0] =	wrdreg $0xFFFFFFFF;
	(pc) =	sbr.abs _section_cstart, $3  }
0xbf: {  	[dreg:$0x1] =	wrdreg $0xFFFFFFFF  }
0xc0: {  	_ =	task.clear_ibuf [dreg:s6], $0x2FFFF;
	_ =	strace $0x9FFFFFFF  }
0xc1: {  	(tm) =	ssettm $0x7FFFFFFF  }
tec
execute0_lowered:
.L_overlay_start_1:
0x0: {  	(tag) =	ssettag $0x1  }
0x1: {  	s3 =	rddreg [dreg:$0x0]  }
0x2: {  	s0 =	rddreg [dreg:$0x1]  }
0x3: {  	s4 =	srdreg.scid;
	s1 =	stileid.u32  }
0x4: {  	s2 =	simm.s32 $0x0;
	s8 =	simm.s32 $0x1;
	s9 =	simm.s32 $0x0  }
0x5: {  	s4 =	sand.u32 $0x1, s4;
	s5 =	sshll.u32 s1, $0x8;
	s6 =	sshrl.u32 s1, $0x2  }
0x6: {  	[smem:$0x7FF] =	sst s2;
	s7 =	sshll.u32 s4, $0x7;
	s5 =	sand.u32 $0x300, s5  }
0x7: {  	s29 =	sshll.u32 s6, $0xD;
	_ =	strace $0x80000047;
	s5 =	sor.u32 s7, s5  }
0x8: {  	s6 =	sshll.u32 s6, $0x10;
	s4 =	ssub.s32 $0x2, s4;
	s7 =	sor.u32 s29, s5  }
0x9: {  	s31 =	sshrl.u32 s4, $0x1;
	s5 =	sor.u32 s6, s5;
	s7 =	sshrl.u32 s7, $0x3  }
0xa: {  	s6 =	simm.s32 $0x80;
	s5 =	sshrl.u32 s5, $0x3;
	s30 =	sadd.s32 s7, s3  }
0xb: {  	s5 =	sadd.s32 s5, s3;
	s7 =	ssub.s32 s4, s31;
	s3 =	sadd.s32 $0x400, s30  }
0xc: {  	v0 =	vimm.s32 $0x0;
	v1 =	vimm.s32 $0x1;
	v2 =	vlaneseq.u32;
	s4 =	sadd.s32 $0x1400, s5;
	s5 =	smax.u32 s7, $0x1;
	s7 =	simm.s32 $0x400  }
.LBB2_1:
0xd: {  	[tilespmem:s2], [sflag:$0x1] =	stream.strided.gather [hbm4b:s3+s6], $0x400, s7, s6, $0x38;
	[tilespmem:$0x2400] =	vst v63  }
0xe: {  	_ =	swait.ge [sflag:s8], $0x400  }
0xf: {  	[sflag:s8] =	ssyncset.done $0x0  }
0x10: {  	s10 =	simm.s32 $0x0;
	[sflag:s8] =	ssyncadd.s32 $0xFFFFFC00  }
.LBB2_2:
0x11: {  	p0 =	sne.s32 s10, $0x7FC0  }
.Ltmp0:
0x12: {  	_ = 	snop;
	(pc) =	sbr.rel @p0 .LBB2_2-.Ltmp0, $3  }
0x13: {  	_ =	sdelay $0x1  }
0x14: {  	s11 =	sshra.s32 s10, $0x2  }
0x15: {  	s10 =	sadd.s32 $0x40, s10;
	[tilespmem:s11+$0x400] =	vst v0  }
0x16: {  	s11 =	simm.s32 $0x0;
	s10 =	simm.s32 $0x40  }
.LBB2_4:
0x17: {  	p0 =	sne.s32 s10, $0xFC0;
	v3 =	vld [tilespmem:s11+$0x0];
	_ =	sdelay $0x3  }
.Ltmp1:
0x18: {  	(pc) =	sbr.rel @p0 .LBB2_4-.Ltmp1, $2  }
0x19: {  	_ =	sdelay $0x2  }
0x1a: {  	s11 =	sshra.s32 s10, $0x2;
	s10 =	sadd.s32 $0x40, s10;
	[tilespmem:v3+s7+$0x0] =	vst.idx.msk $0xffff, v1  }
0x1b: {  	v3 =	vld [tilespmem:s11+$0x0];
	_ =	sdelay $0x7  }
0x1c: {  	[tilespmem:v3+s7+$0x0] =	vst.idx.msk $0xffff, v1  }
0x1d: {  	v3 =	vld [tilespmem:$0x400];
	_ =	sdelay $0x3  }
0x1e: {  	vm0 =	veq.s32 v2, $0x0;
	s9 =	sadd.s32 $0x1, s9  }
0x1f: {  	p0 =	sne.s32 s9, s5;
	v3 =	vsel vm0, $0x1, v3  }
.Ltmp2:
0x20: {  	[tilespmem:$0x400] =	vst v3;
	(pc) =	sbr.rel @p0 .LBB2_1-.Ltmp2, $4  }
0x21: {  	[hbm4b:s4+s6] =	stream.strided.scatter [tilespmem:s7], [sflag:$0x1], $0x2000, s7, s6, $0x38;
	[tilespmem:$0x2400] =	vst v63  }
0x22: {  	_ =	swait.ge [sflag:s8], $0x2000  }
0x23: {  	[sflag:s8] =	ssyncset.done $0x0  }
0x24: {  	[sflag:s8] =	ssyncadd.s32 $0xFFFFE000  }
0x25: {  	_ =	sfence.sel $0x180000  }
0x26: {  	[bflag:$0x0] =	sbarrier.arrive $0xFFFF  }
0x27: {  	p0 =	sne.s32 s1, $0x0;
	_ =	strace $0x90000047  }
0x28: {  	s0 =	sadd.s32 @!p0 $0x100000, s0;
	[bflag:$0x2] =	sbarrier.arrive $0xFFFF  }
0x29: {  	[sflag:s0] =	ssyncadd.tile.s32 @!p0 $0x1;
	_ =	shalt  }
.Lfunc_end2:
_tile_overlayer_lowered:
.L_overlay_start_2:
0x2a: {  	(tag) =	ssettag $0x2  }
0x2b: {  	s0 =	rddreg [dreg:$0x0];
	s2 =	stileid.u32  }
0x2c: {  	s1 =	rddreg [dreg:$0x1];
	p0 =	sne.s32 s2, $0x0  }
0x2d: {  	s3 =	rddreg [dreg:$0x2];
	[bflag:$0x3] =	sbarrier.arrive $0xFFFF;
	s2 =	simm.s32 @!p0 $0x1C01  }
0x2e: {  	[timem:s3], [sflag:s2] =	dma.local @!p0 [hbm:s0], s1  }
0x2f: {  	s0 =	simm.s32 @!p0 $0x1  }
0x30: {  	_ =	swait.ge @!p0 [sflag:s0], s1  }
0x31: {  	s1 =	ssub.s32 @!p0 $0x0, s1;
	[sflag:s0] =	ssyncset.done @!p0 $0x0  }
0x32: {  	[sflag:s0] =	ssyncadd.s32 @!p0 s1  }
0x33: {  	[bflag:$0x3] =	sbarrier.arrive $0xFFFF  }
0x34: {  	_ =	shalt  }

</sc_bundles>
